<compile_context>
chip_gen: v7x
topology: tpu7x:2x2x1
jax: 0.10.2.dev20260603
libtpu: 0.0.44.dev20260713+nightly
codegen_flags: <defaults>
</compile_context>

<pallas_src>
import functools

import jax
import jax.numpy as jnp
from jax import lax
from jax.experimental import pallas as pl
from jax.experimental.pallas import tpu as pltpu
from jax.experimental.pallas import tpu_sc as plsc

B, N, NP = 16, 4096, 1024
C1, C2 = 128, 256
CMID, COUT = 256, 128
BN = B * N
BN1 = 512
BN3 = 512
EPS = 1e-5



def _knn_body(l1t_ref, l2_ref, gidx_ref, wn_ref):
    b = pl.program_id(0)
    a = l1t_ref[0]
    c = l2_ref[0]
    ax, ay, az = a[0:1, :], a[1:2, :], a[2:3, :]
    bx, by, bz = c[:, 0:1], c[:, 1:2], c[:, 2:3]
    a2 = ax * ax + ay * ay + az * az
    b2 = bx * bx + by * by + bz * bz
    cross = lax.dot_general(
        c.astype(jnp.bfloat16), a.astype(jnp.bfloat16),
        dimension_numbers=(((1,), (0,)), ((), ())),
        preferred_element_type=jnp.float32)
    d = (-2.0 * cross + a2) + b2
    iota = lax.broadcasted_iota(jnp.int32, (NP, BN1), 0)
    vals, idxs = [], []
    for k in range(3):
        m = jnp.min(d, axis=0, keepdims=True)
        ix = jnp.min(jnp.where(d == m, iota, jnp.int32(NP)), axis=0,
                     keepdims=True)
        vals.append(m)
        idxs.append(ix)
        if k < 2:
            d = jnp.where(iota == ix, jnp.float32(3.0e38), d)
    w = [1.0 / jnp.where(v < 1e10, jnp.float32(1e-10), v) for v in vals]
    ws = w[0] + w[1] + w[2]
    base = b * NP
    for k in range(3):
        gidx_ref[k:k + 1, :] = idxs[k] + base
        wn_ref[k:k + 1, :] = w[k] / ws


def _knn(l1xyzT, l2xyz):
    nblk = N // BN1
    return pl.pallas_call(
        _knn_body,
        grid=(B, nblk),
        in_specs=[
            pl.BlockSpec((1, 3, BN1), lambda b, i: (b, 0, i)),
            pl.BlockSpec((1, NP, 3), lambda b, i: (b, 0, 0)),
        ],
        out_specs=[
            pl.BlockSpec((3, BN1), lambda b, i: (0, b * nblk + i)),
            pl.BlockSpec((3, BN1), lambda b, i: (0, b * nblk + i)),
        ],
        out_shape=[
            jax.ShapeDtypeStruct((3, BN), jnp.int32),
            jax.ShapeDtypeStruct((3, BN), jnp.float32),
        ],
    )(l1xyzT, l2xyz)



_NC, _NS, _L = 2, 16, 16
NW = _NC * _NS
PW = BN // NW
CH = 64
NCHUNK = PW // CH


@functools.lru_cache(maxsize=1)
def _sc_interp_fn():
    @functools.partial(
        pl.kernel,
        mesh=plsc.VectorSubcoreMesh(core_axis_name="c", subcore_axis_name="s",
                                    num_cores=_NC, num_subcores=_NS),
        out_type=[jax.ShapeDtypeStruct((BN, C2), jnp.float32)
                  for _ in range(3)],
        scratch_types=[
            pltpu.VMEM((3 * PW,), jnp.int32),
            pltpu.VMEM((CH, C2), jnp.float32),
            pltpu.VMEM((CH, C2), jnp.float32),
            pltpu.VMEM((CH, C2), jnp.float32),
            pltpu.VMEM((CH, C2), jnp.float32),
            pltpu.VMEM((CH, C2), jnp.float32),
            pltpu.VMEM((CH, C2), jnp.float32),
            pltpu.SemaphoreType.DMA,
            pltpu.SemaphoreType.DMA,
            pltpu.SemaphoreType.DMA,
            pltpu.SemaphoreType.DMA,
        ],
    )
    def _sc_interp(tab_hbm, gidx_hbm, o0_hbm, o1_hbm, o2_hbm, idx_v,
                   r00, r01, r02, r10, r11, r12,
                   gsem0, gsem1, osem0, osem1):
        wid = lax.axis_index("s") * _NC + lax.axis_index("c")
        base = wid * PW
        rows = ((r00, r01, r02), (r10, r11, r12))
        outs = (o0_hbm, o1_hbm, o2_hbm)
        gsems = (gsem0, gsem1)
        osems = (osem0, osem1)
        for k in range(3):
            pltpu.sync_copy(gidx_hbm.at[pl.ds(k * BN + base, PW)],
                            idx_v.at[pl.ds(k * PW, PW)])

        def fire(cc, par):
            off = cc * CH
            for k in range(3):
                pltpu.async_copy(
                    tab_hbm.at[idx_v.at[pl.ds(k * PW + off, CH)]],
                    rows[par][k], gsems[par])

        def drain_gather(par):
            for k in range(3):
                pltpu.make_async_copy(tab_hbm.at[pl.ds(0, CH)],
                                      rows[par][k], gsems[par]).wait()

        def fire_stores(cc, par):
            off = cc * CH
            for k in range(3):
                pltpu.async_copy(rows[par][k],
                                 outs[k].at[pl.ds(base + off, CH)],
                                 osems[par])

        def wait_stores(par):
            for k in range(3):
                pltpu.make_async_copy(outs[0].at[pl.ds(0, CH)],
                                      rows[par][k], osems[par]).wait()

        fire(0, 0)

        def body(it, carry):
            for par in range(2):
                cc = it * 2 + par
                nxt = cc + 1

                @pl.when(nxt < NCHUNK)
                def _():
                    @pl.when(cc >= 1)
                    def _():
                        wait_stores(1 - par)

                    fire(nxt, 1 - par)

                drain_gather(par)
                fire_stores(cc, par)
            return carry

        lax.fori_loop(0, NCHUNK // 2, body, 0)
        wait_stores(0)
        wait_stores(1)

    return _sc_interp



def _mlp1_body(f1_ref, r0_ref, r1_ref, r2_ref, wn_ref, w0a_ref, w0b_ref,
               b0_ref, y_ref, st_ref):
    wn = wn_ref[...]
    it = (r0_ref[...] * wn[:, 0:1] + r1_ref[...] * wn[:, 1:2]
          + r2_ref[...] * wn[:, 2:3])
    y = jnp.dot(f1_ref[...], w0a_ref[...], preferred_element_type=jnp.float32)
    y = y + jnp.dot(it, w0b_ref[...],
                    preferred_element_type=jnp.float32)
    y = y + b0_ref[...]
    y_ref[...] = y

    @pl.when(pl.program_id(0) == 0)
    def _():
        st_ref[...] = jnp.zeros_like(st_ref)

    st_ref[0:1, :] += jnp.sum(y, axis=0, keepdims=True)
    st_ref[1:2, :] += jnp.sum(y * y, axis=0, keepdims=True)


def _mlp2_body(y0_ref, ss_ref, w1_ref, b1_ref, y_ref, st_ref):
    h = jnp.maximum(y0_ref[...] * ss_ref[0:1, :] + ss_ref[1:2, :], 0.0)
    y = jnp.dot(h, w1_ref[...], preferred_element_type=jnp.float32)
    y = y + b1_ref[...]
    y_ref[...] = y

    @pl.when(pl.program_id(0) == 0)
    def _():
        st_ref[...] = jnp.zeros_like(st_ref)

    st_ref[0:1, :] += jnp.sum(y, axis=0, keepdims=True)
    st_ref[1:2, :] += jnp.sum(y * y, axis=0, keepdims=True)


def _final_body(y1_ref, ss_ref, xf_ref, o_ref):
    h = jnp.maximum(y1_ref[...] * ss_ref[0:1, :] + ss_ref[1:2, :], 0.0)
    o_ref[...] = jnp.concatenate([xf_ref[:, 0:3], h], axis=1)


def _row_block(cols):
    return pl.BlockSpec((BN3, cols), lambda i: (i, 0))


def _whole(shape):
    return pl.BlockSpec(shape, lambda i: tuple(0 for _ in shape))


def _scale_shift(st, gamma, beta):
    mean = st[0] / BN
    var = st[1] / BN - mean * mean
    sc = gamma / jnp.sqrt(var + EPS)
    sh = beta - mean * sc
    out = jnp.zeros((8, st.shape[1]), jnp.float32)
    return out.at[0].set(sc).at[1].set(sh)


def kernel(layer1_points, layer2_points, W0, b0, gamma0, beta0, W1, b1,
           gamma1, beta1):
    l1xyzT = jnp.transpose(layer1_points[..., :3], (0, 2, 1))
    l2xyz = layer2_points[..., :3]
    xfull = layer1_points.reshape(BN, 3 + C1)
    tab = layer2_points[..., 3:].reshape(B * NP, C2)

    gidx, wn = _knn(l1xyzT, l2xyz)
    r0, r1, r2 = _sc_interp_fn()(tab, gidx.reshape(3 * BN))
    wnT = wn.T

    w0at = jnp.concatenate(
        [jnp.zeros((3, CMID), jnp.float32), W0[:, :C1].T], axis=0)
    w0bt = W0[:, C1:].T
    w1t = W1.T
    b0r = b0.reshape(1, CMID)
    b1r = b1.reshape(1, COUT)
    nblk = BN // BN3

    y0, st0 = pl.pallas_call(
        _mlp1_body,
        grid=(nblk,),
        in_specs=[_row_block(3 + C1), _row_block(C2), _row_block(C2),
                  _row_block(C2), _row_block(3), _whole((3 + C1, CMID)),
                  _whole((C2, CMID)), _whole((1, CMID))],
        out_specs=[_row_block(CMID), _whole((8, CMID))],
        out_shape=[jax.ShapeDtypeStruct((BN, CMID), jnp.float32),
                   jax.ShapeDtypeStruct((8, CMID), jnp.float32)],
    )(xfull, r0, r1, r2, wnT, w0at, w0bt, b0r)

    ss0 = _scale_shift(st0, gamma0, beta0)

    y1, st1 = pl.pallas_call(
        _mlp2_body,
        grid=(nblk,),
        in_specs=[_row_block(CMID), _whole((8, CMID)), _whole((CMID, COUT)),
                  _whole((1, COUT))],
        out_specs=[_row_block(COUT), _whole((8, COUT))],
        out_shape=[jax.ShapeDtypeStruct((BN, COUT), jnp.float32),
                   jax.ShapeDtypeStruct((8, COUT), jnp.float32)],
    )(y0, ss0, w1t, b1r)

    ss1 = _scale_shift(st1, gamma1, beta1)

    out = pl.pallas_call(
        _final_body,
        grid=(nblk,),
        in_specs=[_row_block(COUT), _whole((8, COUT)), _row_block(3 + C1)],
        out_specs=_row_block(3 + COUT),
        out_shape=jax.ShapeDtypeStruct((BN, 3 + COUT), jnp.float32),
    )(y1, ss1, xfull)

    return out.reshape(B, N, 3 + COUT)

# --- scband reference (transcript-rebuilt; emitter-appended) ---
"""Pipeline reference for scband-feature-propagation-layer-42314017800358 (READ-ONLY COPY).

The authoritative reference and input builder live on the scoring server;
editing this copy changes nothing except your own understanding.
"""

import jax, jax.numpy as jnp
import numpy as np


def setup_inputs(seed: int = 0) -> dict:
    key = jax.random.key(seed)
    ks = jax.random.split(key, 12)
    B, N, npoint = 16, 4096, 1024
    C1, C2 = 128, 256
    inp = {}
    inp["layer1_points"] = jax.random.normal(ks[0], (B, N, 3 + C1), dtype=jnp.float32)
    inp["layer2_points"] = jax.random.normal(ks[1], (B, npoint, 3 + C2), dtype=jnp.float32)
    mlp = [256, 128]
    last = C1 + C2
    for i, out in enumerate(mlp):
        inp[f"W{i}"] = jax.random.normal(ks[2 + 4 * i], (out, last), dtype=jnp.float32) * (1.0 / np.sqrt(last))
        inp[f"b{i}"] = jnp.zeros((out,), dtype=jnp.float32)
        inp[f"gamma{i}"] = jnp.ones((out,), dtype=jnp.float32)
        inp[f"beta{i}"] = jnp.zeros((out,), dtype=jnp.float32)
        last = out
    return inp


def reference(layer1_points, layer2_points, W0, b0, gamma0, beta0, W1, b1, gamma1, beta1):
    B, N, dim = layer1_points.shape
    layer1_xyz = layer1_points[..., :3]
    layer1_features = layer1_points[..., 3:]
    layer2_xyz = layer2_points[..., :3]
    layer2_features = layer2_points[..., 3:]
    # square_distance
    dist = (-2.0 * jnp.matmul(layer1_xyz, jnp.swapaxes(layer2_xyz, 1, 2))
            + jnp.sum(layer1_xyz ** 2, axis=-1)[:, :, None]
            + jnp.sum(layer2_xyz ** 2, axis=-1)[:, None, :])
    idx = jnp.argsort(dist, axis=-1)
    dist_sorted = jnp.take_along_axis(dist, idx, axis=-1)
    dist_knn = dist_sorted[..., :3]
    idx_knn = idx[..., :3]
    # faithful to torch in-place: dist_knn[dist_knn < 1e10] = 1e-10
    dist_knn = jnp.where(dist_knn < 1e10, jnp.float32(1e-10), dist_knn)
    weight = 1.0 / dist_knn
    # index_points gather
    batch_idx = jnp.arange(B)[:, None, None]
    feats_knn = layer2_features[batch_idx, idx_knn, :]  # [B, N, 3, C2]
    interp = jnp.sum(weight[..., None] * feats_knn, axis=-2) / jnp.sum(weight, axis=-1)[..., None]
    if dim == 3:
        new_features = interp
    else:
        new_features = jnp.concatenate([layer1_features, interp], axis=-1)
    x = new_features  # [B, N, in_channel]; channel-last equivalent of permute+conv1d(k=1)
    eps = 1e-5
    for W, b, g, be in ((W0, b0, gamma0, beta0), (W1, b1, gamma1, beta1)):
        x = jnp.einsum('bnc,oc->bno', x, W) + b
        mean = jnp.mean(x, axis=(0, 1))
        var = jnp.mean((x - mean) ** 2, axis=(0, 1))  # biased, torch BN training-mode normalization
        x = (x - mean) / jnp.sqrt(var + eps) * g + be
        x = jax.nn.relu(x)
    new_points = jnp.concatenate([layer1_xyz, x], axis=-1)
    return new_points

if __name__ == "__main__":
    import jax
    _d = setup_inputs()
    print(jax.jit(kernel)(*tuple(_d.values())))

</pallas_src>

<mosaic_0001>
#map = affine_map<(d0, d1) -> (0, 0)>
#map1 = affine_map<(d0, d1) -> (0)>
module attributes {stable_mosaic.version = 14 : i64} {
  func.func @_sc_interp(%arg0: i32, %arg1: i32, %arg2: memref<16384x256xf32, #tpu.memory_space<hbm>>, %arg3: memref<196608xi32, #tpu.memory_space<hbm>>, %arg4: memref<65536x256xf32, #tpu.memory_space<hbm>>, %arg5: memref<65536x256xf32, #tpu.memory_space<hbm>>, %arg6: memref<65536x256xf32, #tpu.memory_space<hbm>>, %arg7: memref<6144xi32, #tpu.memory_space<vmem>>, %arg8: memref<64x256xf32, #tpu.memory_space<vmem>>, %arg9: memref<64x256xf32, #tpu.memory_space<vmem>>, %arg10: memref<64x256xf32, #tpu.memory_space<vmem>>, %arg11: memref<64x256xf32, #tpu.memory_space<vmem>>, %arg12: memref<64x256xf32, #tpu.memory_space<vmem>>, %arg13: memref<64x256xf32, #tpu.memory_space<vmem>>, %arg14: memref<!tpu.dma_semaphore, #tpu.memory_space<semaphore_mem>>, %arg15: memref<!tpu.dma_semaphore, #tpu.memory_space<semaphore_mem>>, %arg16: memref<!tpu.dma_semaphore, #tpu.memory_space<semaphore_mem>>, %arg17: memref<!tpu.dma_semaphore, #tpu.memory_space<semaphore_mem>>) attributes {dimension_semantics = [#tpu.dimension_semantics<core_parallel>, #tpu.dimension_semantics<subcore_parallel>], iteration_bounds = array<i64: 2, 16>, scalar_prefetch = 0 : i64, scratch_operands = 11 : i64, tpu.core_type = #tpu.core_type<sc_vector_subcore>, window_params = [{transform_indices = #map}, {transform_indices = #map1}, {transform_indices = #map}, {transform_indices = #map}, {transform_indices = #map}]} {
    %mul3A = arith.constant 2 : i32
    %mul3A_0 = arith.muli %arg1, %mul3A : i32
    %add3A = arith.addi %mul3A_0, %arg0 : i32
    %mul3A_1 = arith.constant 2048 : i32
    %mul3A_2 = arith.muli %add3A, %mul3A_1 : i32
    %add3A_3 = arith.constant 0 : i32
    %add3A_4 = arith.addi %add3A_3, %mul3A_2 : i32
    "tpu.region"() ({
      %run_scoped3A = tpu.sem_alloc : memref<!tpu.dma_semaphore, #tpu.memory_space<semaphore_mem>>
      %dma_start3A_63 = arith.constant 0 : i32
      %dma_start3A_64 = tpu.memref_slice %arg7[%dma_start3A_63] : memref<6144xi32, #tpu.memory_space<vmem>> -> memref<2048xi32, #tpu.memory_space<vmem>>
      %dma_start3A_65 = tpu.memref_slice %arg3[%add3A_4] : memref<196608xi32, #tpu.memory_space<hbm>> -> memref<2048xi32, #tpu.memory_space<hbm>>
      %dma_start3A_66 = arith.constant 0 : i32
      %dma_start3A_67 = tpu.memref_slice %arg7[%dma_start3A_66] : memref<6144xi32, #tpu.memory_space<vmem>> -> memref<2048xi32, #tpu.memory_space<vmem>>
      %dma_start3A_68 = tpu.memref_slice %arg3[%add3A_4] : memref<196608xi32, #tpu.memory_space<hbm>> -> memref<2048xi32, #tpu.memory_space<hbm>>
      tpu.enqueue_dma source(%dma_start3A_68 : memref<2048xi32, #tpu.memory_space<hbm>>) target(%dma_start3A_67 : memref<2048xi32, #tpu.memory_space<vmem>>) target_semaphore(%run_scoped3A : memref<!tpu.dma_semaphore, #tpu.memory_space<semaphore_mem>>)
      %dma_wait3A_69 = arith.constant 0 : i32
      %dma_wait3A_70 = tpu.memref_slice %arg7[%dma_wait3A_69] : memref<6144xi32, #tpu.memory_space<vmem>> -> memref<2048xi32, #tpu.memory_space<vmem>>
      %dma_wait3A_71 = tpu.memref_slice %arg3[%add3A_4] : memref<196608xi32, #tpu.memory_space<hbm>> -> memref<2048xi32, #tpu.memory_space<hbm>>
      %dma_wait3A_72 = arith.constant 0 : i32
      %dma_wait3A_73 = tpu.memref_slice %arg7[%dma_wait3A_72] : memref<6144xi32, #tpu.memory_space<vmem>> -> memref<2048xi32, #tpu.memory_space<vmem>>
      %dma_wait3A_74 = tpu.memref_slice %arg3[%add3A_4] : memref<196608xi32, #tpu.memory_space<hbm>> -> memref<2048xi32, #tpu.memory_space<hbm>>
      tpu.wait_dma2 semaphore(%run_scoped3A : memref<!tpu.dma_semaphore, #tpu.memory_space<semaphore_mem>>) src(%dma_wait3A_74 : memref<2048xi32, #tpu.memory_space<hbm>>) dst(%dma_wait3A_73 : memref<2048xi32, #tpu.memory_space<vmem>>)
      tpu.yield
    }) : () -> ()
    %add3A_5 = arith.constant 65536 : i32
    %add3A_6 = arith.addi %add3A_5, %mul3A_2 : i32
    "tpu.region"() ({
      %run_scoped3A = tpu.sem_alloc : memref<!tpu.dma_semaphore, #tpu.memory_space<semaphore_mem>>
      %dma_start3A_63 = arith.constant 2048 : i32
      %dma_start3A_64 = tpu.memref_slice %arg7[%dma_start3A_63] : memref<6144xi32, #tpu.memory_space<vmem>> -> memref<2048xi32, #tpu.memory_space<vmem>>
      %dma_start3A_65 = tpu.memref_slice %arg3[%add3A_6] : memref<196608xi32, #tpu.memory_space<hbm>> -> memref<2048xi32, #tpu.memory_space<hbm>>
      %dma_start3A_66 = arith.constant 2048 : i32
      %dma_start3A_67 = tpu.memref_slice %arg7[%dma_start3A_66] : memref<6144xi32, #tpu.memory_space<vmem>> -> memref<2048xi32, #tpu.memory_space<vmem>>
      %dma_start3A_68 = tpu.memref_slice %arg3[%add3A_6] : memref<196608xi32, #tpu.memory_space<hbm>> -> memref<2048xi32, #tpu.memory_space<hbm>>
      tpu.enqueue_dma source(%dma_start3A_68 : memref<2048xi32, #tpu.memory_space<hbm>>) target(%dma_start3A_67 : memref<2048xi32, #tpu.memory_space<vmem>>) target_semaphore(%run_scoped3A : memref<!tpu.dma_semaphore, #tpu.memory_space<semaphore_mem>>)
      %dma_wait3A_69 = arith.constant 2048 : i32
      %dma_wait3A_70 = tpu.memref_slice %arg7[%dma_wait3A_69] : memref<6144xi32, #tpu.memory_space<vmem>> -> memref<2048xi32, #tpu.memory_space<vmem>>
      %dma_wait3A_71 = tpu.memref_slice %arg3[%add3A_6] : memref<196608xi32, #tpu.memory_space<hbm>> -> memref<2048xi32, #tpu.memory_space<hbm>>
      %dma_wait3A_72 = arith.constant 2048 : i32
      %dma_wait3A_73 = tpu.memref_slice %arg7[%dma_wait3A_72] : memref<6144xi32, #tpu.memory_space<vmem>> -> memref<2048xi32, #tpu.memory_space<vmem>>
      %dma_wait3A_74 = tpu.memref_slice %arg3[%add3A_6] : memref<196608xi32, #tpu.memory_space<hbm>> -> memref<2048xi32, #tpu.memory_space<hbm>>
      tpu.wait_dma2 semaphore(%run_scoped3A : memref<!tpu.dma_semaphore, #tpu.memory_space<semaphore_mem>>) src(%dma_wait3A_74 : memref<2048xi32, #tpu.memory_space<hbm>>) dst(%dma_wait3A_73 : memref<2048xi32, #tpu.memory_space<vmem>>)
      tpu.yield
    }) : () -> ()
    %add3A_7 = arith.constant 131072 : i32
    %add3A_8 = arith.addi %add3A_7, %mul3A_2 : i32
    "tpu.region"() ({
      %run_scoped3A = tpu.sem_alloc : memref<!tpu.dma_semaphore, #tpu.memory_space<semaphore_mem>>
      %dma_start3A_63 = arith.constant 4096 : i32
      %dma_start3A_64 = tpu.memref_slice %arg7[%dma_start3A_63] : memref<6144xi32, #tpu.memory_space<vmem>> -> memref<2048xi32, #tpu.memory_space<vmem>>
      %dma_start3A_65 = tpu.memref_slice %arg3[%add3A_8] : memref<196608xi32, #tpu.memory_space<hbm>> -> memref<2048xi32, #tpu.memory_space<hbm>>
      %dma_start3A_66 = arith.constant 4096 : i32
      %dma_start3A_67 = tpu.memref_slice %arg7[%dma_start3A_66] : memref<6144xi32, #tpu.memory_space<vmem>> -> memref<2048xi32, #tpu.memory_space<vmem>>
      %dma_start3A_68 = tpu.memref_slice %arg3[%add3A_8] : memref<196608xi32, #tpu.memory_space<hbm>> -> memref<2048xi32, #tpu.memory_space<hbm>>
      tpu.enqueue_dma source(%dma_start3A_68 : memref<2048xi32, #tpu.memory_space<hbm>>) target(%dma_start3A_67 : memref<2048xi32, #tpu.memory_space<vmem>>) target_semaphore(%run_scoped3A : memref<!tpu.dma_semaphore, #tpu.memory_space<semaphore_mem>>)
      %dma_wait3A_69 = arith.constant 4096 : i32
      %dma_wait3A_70 = tpu.memref_slice %arg7[%dma_wait3A_69] : memref<6144xi32, #tpu.memory_space<vmem>> -> memref<2048xi32, #tpu.memory_space<vmem>>
      %dma_wait3A_71 = tpu.memref_slice %arg3[%add3A_8] : memref<196608xi32, #tpu.memory_space<hbm>> -> memref<2048xi32, #tpu.memory_space<hbm>>
      %dma_wait3A_72 = arith.constant 4096 : i32
      %dma_wait3A_73 = tpu.memref_slice %arg7[%dma_wait3A_72] : memref<6144xi32, #tpu.memory_space<vmem>> -> memref<2048xi32, #tpu.memory_space<vmem>>
      %dma_wait3A_74 = tpu.memref_slice %arg3[%add3A_8] : memref<196608xi32, #tpu.memory_space<hbm>> -> memref<2048xi32, #tpu.memory_space<hbm>>
      tpu.wait_dma2 semaphore(%run_scoped3A : memref<!tpu.dma_semaphore, #tpu.memory_space<semaphore_mem>>) src(%dma_wait3A_74 : memref<2048xi32, #tpu.memory_space<hbm>>) dst(%dma_wait3A_73 : memref<2048xi32, #tpu.memory_space<vmem>>)
      tpu.yield
    }) : () -> ()
    %dma_start3A = arith.constant 0 : i32
    %dma_start3A_9 = tpu.memref_slice %arg7[%dma_start3A] : memref<6144xi32, #tpu.memory_space<vmem>> -> memref<64xi32, #tpu.memory_space<vmem>>
    %dma_start3A_10 = arith.constant 0 : i32
    %dma_start3A_11 = arith.constant 0 : i32
    %dma_start3A_12 = tpu.memref_slice %arg2[%dma_start3A_10, %dma_start3A_11] : memref<16384x256xf32, #tpu.memory_space<hbm>> -> memref<16384x256xf32, #tpu.memory_space<hbm>>
    tpu.enqueue_indirect_dma source(%dma_start3A_12 : memref<16384x256xf32, #tpu.memory_space<hbm>>) target(%arg8 : memref<64x256xf32, #tpu.memory_space<vmem>>) offsets(%dma_start3A_9 : memref<64xi32, #tpu.memory_space<vmem>>) semaphore(%arg14 : memref<!tpu.dma_semaphore, #tpu.memory_space<semaphore_mem>>)
    %dma_start3A_13 = arith.constant 2048 : i32
    %dma_start3A_14 = tpu.memref_slice %arg7[%dma_start3A_13] : memref<6144xi32, #tpu.memory_space<vmem>> -> memref<64xi32, #tpu.memory_space<vmem>>
    %dma_start3A_15 = arith.constant 0 : i32
    %dma_start3A_16 = arith.constant 0 : i32
    %dma_start3A_17 = tpu.memref_slice %arg2[%dma_start3A_15, %dma_start3A_16] : memref<16384x256xf32, #tpu.memory_space<hbm>> -> memref<16384x256xf32, #tpu.memory_space<hbm>>
    tpu.enqueue_indirect_dma source(%dma_start3A_17 : memref<16384x256xf32, #tpu.memory_space<hbm>>) target(%arg9 : memref<64x256xf32, #tpu.memory_space<vmem>>) offsets(%dma_start3A_14 : memref<64xi32, #tpu.memory_space<vmem>>) semaphore(%arg14 : memref<!tpu.dma_semaphore, #tpu.memory_space<semaphore_mem>>)
    %dma_start3A_18 = arith.constant 4096 : i32
    %dma_start3A_19 = tpu.memref_slice %arg7[%dma_start3A_18] : memref<6144xi32, #tpu.memory_space<vmem>> -> memref<64xi32, #tpu.memory_space<vmem>>
    %dma_start3A_20 = arith.constant 0 : i32
    %dma_start3A_21 = arith.constant 0 : i32
    %dma_start3A_22 = tpu.memref_slice %arg2[%dma_start3A_20, %dma_start3A_21] : memref<16384x256xf32, #tpu.memory_space<hbm>> -> memref<16384x256xf32, #tpu.memory_space<hbm>>
    tpu.enqueue_indirect_dma source(%dma_start3A_22 : memref<16384x256xf32, #tpu.memory_space<hbm>>) target(%arg10 : memref<64x256xf32, #tpu.memory_space<vmem>>) offsets(%dma_start3A_19 : memref<64xi32, #tpu.memory_space<vmem>>) semaphore(%arg14 : memref<!tpu.dma_semaphore, #tpu.memory_space<semaphore_mem>>)
    %scan3A = arith.constant 0 : i32
    %scan3A_23 = arith.constant 0 : i32
    %scan3A_24 = arith.constant 16 : i32
    %scan3A_25 = arith.addi %scan3A_23, %scan3A_24 : i32
    %scan3A_26 = arith.constant 1 : i32
    scf.for %scan3A_63 = %scan3A_23 to %scan3A_25 step %scan3A_26  : i32 {
      %mul3A_64 = arith.constant 2 : i32
      %mul3A_65 = arith.muli %scan3A_63, %mul3A_64 : i32
      %add3A_66 = arith.constant 0 : i32
      %add3A_67 = arith.addi %mul3A_65, %add3A_66 : i32
      %add3A_68 = arith.constant 1 : i32
      %add3A_69 = arith.addi %add3A_67, %add3A_68 : i32
      %lt3A = arith.constant 32 : i32
      %lt3A_70 = arith.cmpi slt, %add3A_69, %lt3A : i32
      %convert_element_type3A = arith.extui %lt3A_70 : i1 to i32
      %cond3A = arith.constant 0 : i32
      %cond3A_71 = arith.cmpi ne, %convert_element_type3A, %cond3A : i32
      scf.if %cond3A_71 {
        %ge3A = arith.constant 1 : i32
        %ge3A_153 = arith.cmpi sge, %add3A_67, %ge3A : i32
        %convert_element_type3A_154 = arith.extui %ge3A_153 : i1 to i32
        %cond3A_155 = arith.constant 0 : i32
        %cond3A_156 = arith.cmpi ne, %convert_element_type3A_154, %cond3A_155 : i32
        scf.if %cond3A_156 {
          %dma_wait3A_177 = arith.constant 0 : i32
          %dma_wait3A_178 = arith.constant 0 : i32
          %dma_wait3A_179 = tpu.memref_slice %arg4[%dma_wait3A_177, %dma_wait3A_178] : memref<65536x256xf32, #tpu.memory_space<hbm>> -> memref<64x256xf32, #tpu.memory_space<hbm>>
          %dma_wait3A_180 = arith.constant 0 : i32
          %dma_wait3A_181 = arith.constant 0 : i32
          %dma_wait3A_182 = tpu.memref_slice %arg4[%dma_wait3A_180, %dma_wait3A_181] : memref<65536x256xf32, #tpu.memory_space<hbm>> -> memref<64x256xf32, #tpu.memory_space<hbm>>
          tpu.wait_dma2 semaphore(%arg17 : memref<!tpu.dma_semaphore, #tpu.memory_space<semaphore_mem>>) src(%dma_wait3A_182 : memref<64x256xf32, #tpu.memory_space<hbm>>) dst(%arg11 : memref<64x256xf32, #tpu.memory_space<vmem>>)
          %dma_wait3A_183 = arith.constant 0 : i32
          %dma_wait3A_184 = arith.constant 0 : i32
          %dma_wait3A_185 = tpu.memref_slice %arg4[%dma_wait3A_183, %dma_wait3A_184] : memref<65536x256xf32, #tpu.memory_space<hbm>> -> memref<64x256xf32, #tpu.memory_space<hbm>>
          %dma_wait3A_186 = arith.constant 0 : i32
          %dma_wait3A_187 = arith.constant 0 : i32
          %dma_wait3A_188 = tpu.memref_slice %arg4[%dma_wait3A_186, %dma_wait3A_187] : memref<65536x256xf32, #tpu.memory_space<hbm>> -> memref<64x256xf32, #tpu.memory_space<hbm>>
          tpu.wait_dma2 semaphore(%arg17 : memref<!tpu.dma_semaphore, #tpu.memory_space<semaphore_mem>>) src(%dma_wait3A_188 : memref<64x256xf32, #tpu.memory_space<hbm>>) dst(%arg12 : memref<64x256xf32, #tpu.memory_space<vmem>>)
          %dma_wait3A_189 = arith.constant 0 : i32
          %dma_wait3A_190 = arith.constant 0 : i32
          %dma_wait3A_191 = tpu.memref_slice %arg4[%dma_wait3A_189, %dma_wait3A_190] : memref<65536x256xf32, #tpu.memory_space<hbm>> -> memref<64x256xf32, #tpu.memory_space<hbm>>
          %dma_wait3A_192 = arith.constant 0 : i32
          %dma_wait3A_193 = arith.constant 0 : i32
          %dma_wait3A_194 = tpu.memref_slice %arg4[%dma_wait3A_192, %dma_wait3A_193] : memref<65536x256xf32, #tpu.memory_space<hbm>> -> memref<64x256xf32, #tpu.memory_space<hbm>>
          tpu.wait_dma2 semaphore(%arg17 : memref<!tpu.dma_semaphore, #tpu.memory_space<semaphore_mem>>) src(%dma_wait3A_194 : memref<64x256xf32, #tpu.memory_space<hbm>>) dst(%arg13 : memref<64x256xf32, #tpu.memory_space<vmem>>)
        } else {
        }
        %mul3A_157 = arith.constant 64 : i32
        %mul3A_158 = arith.muli %add3A_69, %mul3A_157 : i32
        %add3A_159 = arith.constant 0 : i32
        %add3A_160 = arith.addi %add3A_159, %mul3A_158 : i32
        %dma_start3A_161 = tpu.memref_slice %arg7[%add3A_160] : memref<6144xi32, #tpu.memory_space<vmem>> -> memref<64xi32, #tpu.memory_space<vmem>>
        %dma_start3A_162 = arith.constant 0 : i32
        %dma_start3A_163 = arith.constant 0 : i32
        %dma_start3A_164 = tpu.memref_slice %arg2[%dma_start3A_162, %dma_start3A_163] : memref<16384x256xf32, #tpu.memory_space<hbm>> -> memref<16384x256xf32, #tpu.memory_space<hbm>>
        tpu.enqueue_indirect_dma source(%dma_start3A_164 : memref<16384x256xf32, #tpu.memory_space<hbm>>) target(%arg11 : memref<64x256xf32, #tpu.memory_space<vmem>>) offsets(%dma_start3A_161 : memref<64xi32, #tpu.memory_space<vmem>>) semaphore(%arg15 : memref<!tpu.dma_semaphore, #tpu.memory_space<semaphore_mem>>)
        %add3A_165 = arith.constant 2048 : i32
        %add3A_166 = arith.addi %add3A_165, %mul3A_158 : i32
        %dma_start3A_167 = tpu.memref_slice %arg7[%add3A_166] : memref<6144xi32, #tpu.memory_space<vmem>> -> memref<64xi32, #tpu.memory_space<vmem>>
        %dma_start3A_168 = arith.constant 0 : i32
        %dma_start3A_169 = arith.constant 0 : i32
        %dma_start3A_170 = tpu.memref_slice %arg2[%dma_start3A_168, %dma_start3A_169] : memref<16384x256xf32, #tpu.memory_space<hbm>> -> memref<16384x256xf32, #tpu.memory_space<hbm>>
        tpu.enqueue_indirect_dma source(%dma_start3A_170 : memref<16384x256xf32, #tpu.memory_space<hbm>>) target(%arg12 : memref<64x256xf32, #tpu.memory_space<vmem>>) offsets(%dma_start3A_167 : memref<64xi32, #tpu.memory_space<vmem>>) semaphore(%arg15 : memref<!tpu.dma_semaphore, #tpu.memory_space<semaphore_mem>>)
        %add3A_171 = arith.constant 4096 : i32
        %add3A_172 = arith.addi %add3A_171, %mul3A_158 : i32
        %dma_start3A_173 = tpu.memref_slice %arg7[%add3A_172] : memref<6144xi32, #tpu.memory_space<vmem>> -> memref<64xi32, #tpu.memory_space<vmem>>
        %dma_start3A_174 = arith.constant 0 : i32
        %dma_start3A_175 = arith.constant 0 : i32
        %dma_start3A_176 = tpu.memref_slice %arg2[%dma_start3A_174, %dma_start3A_175] : memref<16384x256xf32, #tpu.memory_space<hbm>> -> memref<16384x256xf32, #tpu.memory_space<hbm>>
        tpu.enqueue_indirect_dma source(%dma_start3A_176 : memref<16384x256xf32, #tpu.memory_space<hbm>>) target(%arg13 : memref<64x256xf32, #tpu.memory_space<vmem>>) offsets(%dma_start3A_173 : memref<64xi32, #tpu.memory_space<vmem>>) semaphore(%arg15 : memref<!tpu.dma_semaphore, #tpu.memory_space<semaphore_mem>>)
      } else {
      }
      %dma_wait3A_72 = arith.constant 0 : i32
      %dma_wait3A_73 = arith.constant 0 : i32
      %dma_wait3A_74 = tpu.memref_slice %arg2[%dma_wait3A_72, %dma_wait3A_73] : memref<16384x256xf32, #tpu.memory_space<hbm>> -> memref<64x256xf32, #tpu.memory_space<hbm>>
      %dma_wait3A_75 = arith.constant 0 : i32
      %dma_wait3A_76 = arith.constant 0 : i32
      %dma_wait3A_77 = tpu.memref_slice %arg2[%dma_wait3A_75, %dma_wait3A_76] : memref<16384x256xf32, #tpu.memory_space<hbm>> -> memref<64x256xf32, #tpu.memory_space<hbm>>
      tpu.wait_dma2 semaphore(%arg14 : memref<!tpu.dma_semaphore, #tpu.memory_space<semaphore_mem>>) src(%dma_wait3A_77 : memref<64x256xf32, #tpu.memory_space<hbm>>) dst(%arg8 : memref<64x256xf32, #tpu.memory_space<vmem>>)
      %dma_wait3A_78 = arith.constant 0 : i32
      %dma_wait3A_79 = arith.constant 0 : i32
      %dma_wait3A_80 = tpu.memref_slice %arg2[%dma_wait3A_78, %dma_wait3A_79] : memref<16384x256xf32, #tpu.memory_space<hbm>> -> memref<64x256xf32, #tpu.memory_space<hbm>>
      %dma_wait3A_81 = arith.constant 0 : i32
      %dma_wait3A_82 = arith.constant 0 : i32
      %dma_wait3A_83 = tpu.memref_slice %arg2[%dma_wait3A_81, %dma_wait3A_82] : memref<16384x256xf32, #tpu.memory_space<hbm>> -> memref<64x256xf32, #tpu.memory_space<hbm>>
      tpu.wait_dma2 semaphore(%arg14 : memref<!tpu.dma_semaphore, #tpu.memory_space<semaphore_mem>>) src(%dma_wait3A_83 : memref<64x256xf32, #tpu.memory_space<hbm>>) dst(%arg9 : memref<64x256xf32, #tpu.memory_space<vmem>>)
      %dma_wait3A_84 = arith.constant 0 : i32
      %dma_wait3A_85 = arith.constant 0 : i32
      %dma_wait3A_86 = tpu.memref_slice %arg2[%dma_wait3A_84, %dma_wait3A_85] : memref<16384x256xf32, #tpu.memory_space<hbm>> -> memref<64x256xf32, #tpu.memory_space<hbm>>
      %dma_wait3A_87 = arith.constant 0 : i32
      %dma_wait3A_88 = arith.constant 0 : i32
      %dma_wait3A_89 = tpu.memref_slice %arg2[%dma_wait3A_87, %dma_wait3A_88] : memref<16384x256xf32, #tpu.memory_space<hbm>> -> memref<64x256xf32, #tpu.memory_space<hbm>>
      tpu.wait_dma2 semaphore(%arg14 : memref<!tpu.dma_semaphore, #tpu.memory_space<semaphore_mem>>) src(%dma_wait3A_89 : memref<64x256xf32, #tpu.memory_space<hbm>>) dst(%arg10 : memref<64x256xf32, #tpu.memory_space<vmem>>)
      %mul3A_90 = arith.constant 64 : i32
      %mul3A_91 = arith.muli %add3A_67, %mul3A_90 : i32
      %add3A_92 = arith.addi %mul3A_2, %mul3A_91 : i32
      %dma_start3A_93 = arith.constant 0 : i32
      %dma_start3A_94 = tpu.memref_slice %arg4[%add3A_92, %dma_start3A_93] : memref<65536x256xf32, #tpu.memory_space<hbm>> -> memref<64x256xf32, #tpu.memory_space<hbm>>
      %dma_start3A_95 = arith.constant 0 : i32
      %dma_start3A_96 = tpu.memref_slice %arg4[%add3A_92, %dma_start3A_95] : memref<65536x256xf32, #tpu.memory_space<hbm>> -> memref<64x256xf32, #tpu.memory_space<hbm>>
      tpu.enqueue_dma source(%arg8 : memref<64x256xf32, #tpu.memory_space<vmem>>) target(%dma_start3A_96 : memref<64x256xf32, #tpu.memory_space<hbm>>) target_semaphore(%arg16 : memref<!tpu.dma_semaphore, #tpu.memory_space<semaphore_mem>>)
      %add3A_97 = arith.addi %mul3A_2, %mul3A_91 : i32
      %dma_start3A_98 = arith.constant 0 : i32
      %dma_start3A_99 = tpu.memref_slice %arg5[%add3A_97, %dma_start3A_98] : memref<65536x256xf32, #tpu.memory_space<hbm>> -> memref<64x256xf32, #tpu.memory_space<hbm>>
      %dma_start3A_100 = arith.constant 0 : i32
      %dma_start3A_101 = tpu.memref_slice %arg5[%add3A_97, %dma_start3A_100] : memref<65536x256xf32, #tpu.memory_space<hbm>> -> memref<64x256xf32, #tpu.memory_space<hbm>>
      tpu.enqueue_dma source(%arg9 : memref<64x256xf32, #tpu.memory_space<vmem>>) target(%dma_start3A_101 : memref<64x256xf32, #tpu.memory_space<hbm>>) target_semaphore(%arg16 : memref<!tpu.dma_semaphore, #tpu.memory_space<semaphore_mem>>)
      %add3A_102 = arith.addi %mul3A_2, %mul3A_91 : i32
      %dma_start3A_103 = arith.constant 0 : i32
      %dma_start3A_104 = tpu.memref_slice %arg6[%add3A_102, %dma_start3A_103] : memref<65536x256xf32, #tpu.memory_space<hbm>> -> memref<64x256xf32, #tpu.memory_space<hbm>>
      %dma_start3A_105 = arith.constant 0 : i32
      %dma_start3A_106 = tpu.memref_slice %arg6[%add3A_102, %dma_start3A_105] : memref<65536x256xf32, #tpu.memory_space<hbm>> -> memref<64x256xf32, #tpu.memory_space<hbm>>
      tpu.enqueue_dma source(%arg10 : memref<64x256xf32, #tpu.memory_space<vmem>>) target(%dma_start3A_106 : memref<64x256xf32, #tpu.memory_space<hbm>>) target_semaphore(%arg16 : memref<!tpu.dma_semaphore, #tpu.memory_space<semaphore_mem>>)
      %mul3A_107 = arith.constant 2 : i32
      %mul3A_108 = arith.muli %scan3A_63, %mul3A_107 : i32
      %add3A_109 = arith.constant 1 : i32
      %add3A_110 = arith.addi %mul3A_108, %add3A_109 : i32
      %add3A_111 = arith.constant 1 : i32
      %add3A_112 = arith.addi %add3A_110, %add3A_111 : i32
      %lt3A_113 = arith.constant 32 : i32
      %lt3A_114 = arith.cmpi slt, %add3A_112, %lt3A_113 : i32
      %convert_element_type3A_115 = arith.extui %lt3A_114 : i1 to i32
      %cond3A_116 = arith.constant 0 : i32
      %cond3A_117 = arith.cmpi ne, %convert_element_type3A_115, %cond3A_116 : i32
      scf.if %cond3A_117 {
        %ge3A = arith.constant 1 : i32
        %ge3A_153 = arith.cmpi sge, %add3A_110, %ge3A : i32
        %convert_element_type3A_154 = arith.extui %ge3A_153 : i1 to i32
        %cond3A_155 = arith.constant 0 : i32
        %cond3A_156 = arith.cmpi ne, %convert_element_type3A_154, %cond3A_155 : i32
        scf.if %cond3A_156 {
          %dma_wait3A_177 = arith.constant 0 : i32
          %dma_wait3A_178 = arith.constant 0 : i32
          %dma_wait3A_179 = tpu.memref_slice %arg4[%dma_wait3A_177, %dma_wait3A_178] : memref<65536x256xf32, #tpu.memory_space<hbm>> -> memref<64x256xf32, #tpu.memory_space<hbm>>
          %dma_wait3A_180 = arith.constant 0 : i32
          %dma_wait3A_181 = arith.constant 0 : i32
          %dma_wait3A_182 = tpu.memref_slice %arg4[%dma_wait3A_180, %dma_wait3A_181] : memref<65536x256xf32, #tpu.memory_space<hbm>> -> memref<64x256xf32, #tpu.memory_space<hbm>>
          tpu.wait_dma2 semaphore(%arg16 : memref<!tpu.dma_semaphore, #tpu.memory_space<semaphore_mem>>) src(%dma_wait3A_182 : memref<64x256xf32, #tpu.memory_space<hbm>>) dst(%arg8 : memref<64x256xf32, #tpu.memory_space<vmem>>)
          %dma_wait3A_183 = arith.constant 0 : i32
          %dma_wait3A_184 = arith.constant 0 : i32
          %dma_wait3A_185 = tpu.memref_slice %arg4[%dma_wait3A_183, %dma_wait3A_184] : memref<65536x256xf32, #tpu.memory_space<hbm>> -> memref<64x256xf32, #tpu.memory_space<hbm>>
          %dma_wait3A_186 = arith.constant 0 : i32
          %dma_wait3A_187 = arith.constant 0 : i32
          %dma_wait3A_188 = tpu.memref_slice %arg4[%dma_wait3A_186, %dma_wait3A_187] : memref<65536x256xf32, #tpu.memory_space<hbm>> -> memref<64x256xf32, #tpu.memory_space<hbm>>
          tpu.wait_dma2 semaphore(%arg16 : memref<!tpu.dma_semaphore, #tpu.memory_space<semaphore_mem>>) src(%dma_wait3A_188 : memref<64x256xf32, #tpu.memory_space<hbm>>) dst(%arg9 : memref<64x256xf32, #tpu.memory_space<vmem>>)
          %dma_wait3A_189 = arith.constant 0 : i32
          %dma_wait3A_190 = arith.constant 0 : i32
          %dma_wait3A_191 = tpu.memref_slice %arg4[%dma_wait3A_189, %dma_wait3A_190] : memref<65536x256xf32, #tpu.memory_space<hbm>> -> memref<64x256xf32, #tpu.memory_space<hbm>>
          %dma_wait3A_192 = arith.constant 0 : i32
          %dma_wait3A_193 = arith.constant 0 : i32
          %dma_wait3A_194 = tpu.memref_slice %arg4[%dma_wait3A_192, %dma_wait3A_193] : memref<65536x256xf32, #tpu.memory_space<hbm>> -> memref<64x256xf32, #tpu.memory_space<hbm>>
          tpu.wait_dma2 semaphore(%arg16 : memref<!tpu.dma_semaphore, #tpu.memory_space<semaphore_mem>>) src(%dma_wait3A_194 : memref<64x256xf32, #tpu.memory_space<hbm>>) dst(%arg10 : memref<64x256xf32, #tpu.memory_space<vmem>>)
        } else {
        }
        %mul3A_157 = arith.constant 64 : i32
        %mul3A_158 = arith.muli %add3A_112, %mul3A_157 : i32
        %add3A_159 = arith.constant 0 : i32
        %add3A_160 = arith.addi %add3A_159, %mul3A_158 : i32
        %dma_start3A_161 = tpu.memref_slice %arg7[%add3A_160] : memref<6144xi32, #tpu.memory_space<vmem>> -> memref<64xi32, #tpu.memory_space<vmem>>
        %dma_start3A_162 = arith.constant 0 : i32
        %dma_start3A_163 = arith.constant 0 : i32
        %dma_start3A_164 = tpu.memref_slice %arg2[%dma_start3A_162, %dma_start3A_163] : memref<16384x256xf32, #tpu.memory_space<hbm>> -> memref<16384x256xf32, #tpu.memory_space<hbm>>
        tpu.enqueue_indirect_dma source(%dma_start3A_164 : memref<16384x256xf32, #tpu.memory_space<hbm>>) target(%arg8 : memref<64x256xf32, #tpu.memory_space<vmem>>) offsets(%dma_start3A_161 : memref<64xi32, #tpu.memory_space<vmem>>) semaphore(%arg14 : memref<!tpu.dma_semaphore, #tpu.memory_space<semaphore_mem>>)
        %add3A_165 = arith.constant 2048 : i32
        %add3A_166 = arith.addi %add3A_165, %mul3A_158 : i32
        %dma_start3A_167 = tpu.memref_slice %arg7[%add3A_166] : memref<6144xi32, #tpu.memory_space<vmem>> -> memref<64xi32, #tpu.memory_space<vmem>>
        %dma_start3A_168 = arith.constant 0 : i32
        %dma_start3A_169 = arith.constant 0 : i32
        %dma_start3A_170 = tpu.memref_slice %arg2[%dma_start3A_168, %dma_start3A_169] : memref<16384x256xf32, #tpu.memory_space<hbm>> -> memref<16384x256xf32, #tpu.memory_space<hbm>>
        tpu.enqueue_indirect_dma source(%dma_start3A_170 : memref<16384x256xf32, #tpu.memory_space<hbm>>) target(%arg9 : memref<64x256xf32, #tpu.memory_space<vmem>>) offsets(%dma_start3A_167 : memref<64xi32, #tpu.memory_space<vmem>>) semaphore(%arg14 : memref<!tpu.dma_semaphore, #tpu.memory_space<semaphore_mem>>)
        %add3A_171 = arith.constant 4096 : i32
        %add3A_172 = arith.addi %add3A_171, %mul3A_158 : i32
        %dma_start3A_173 = tpu.memref_slice %arg7[%add3A_172] : memref<6144xi32, #tpu.memory_space<vmem>> -> memref<64xi32, #tpu.memory_space<vmem>>
        %dma_start3A_174 = arith.constant 0 : i32
        %dma_start3A_175 = arith.constant 0 : i32
        %dma_start3A_176 = tpu.memref_slice %arg2[%dma_start3A_174, %dma_start3A_175] : memref<16384x256xf32, #tpu.memory_space<hbm>> -> memref<16384x256xf32, #tpu.memory_space<hbm>>
        tpu.enqueue_indirect_dma source(%dma_start3A_176 : memref<16384x256xf32, #tpu.memory_space<hbm>>) target(%arg10 : memref<64x256xf32, #tpu.memory_space<vmem>>) offsets(%dma_start3A_173 : memref<64xi32, #tpu.memory_space<vmem>>) semaphore(%arg14 : memref<!tpu.dma_semaphore, #tpu.memory_space<semaphore_mem>>)
      } else {
      }
      %dma_wait3A_118 = arith.constant 0 : i32
      %dma_wait3A_119 = arith.constant 0 : i32
      %dma_wait3A_120 = tpu.memref_slice %arg2[%dma_wait3A_118, %dma_wait3A_119] : memref<16384x256xf32, #tpu.memory_space<hbm>> -> memref<64x256xf32, #tpu.memory_space<hbm>>
      %dma_wait3A_121 = arith.constant 0 : i32
      %dma_wait3A_122 = arith.constant 0 : i32
      %dma_wait3A_123 = tpu.memref_slice %arg2[%dma_wait3A_121, %dma_wait3A_122] : memref<16384x256xf32, #tpu.memory_space<hbm>> -> memref<64x256xf32, #tpu.memory_space<hbm>>
      tpu.wait_dma2 semaphore(%arg15 : memref<!tpu.dma_semaphore, #tpu.memory_space<semaphore_mem>>) src(%dma_wait3A_123 : memref<64x256xf32, #tpu.memory_space<hbm>>) dst(%arg11 : memref<64x256xf32, #tpu.memory_space<vmem>>)
      %dma_wait3A_124 = arith.constant 0 : i32
      %dma_wait3A_125 = arith.constant 0 : i32
      %dma_wait3A_126 = tpu.memref_slice %arg2[%dma_wait3A_124, %dma_wait3A_125] : memref<16384x256xf32, #tpu.memory_space<hbm>> -> memref<64x256xf32, #tpu.memory_space<hbm>>
      %dma_wait3A_127 = arith.constant 0 : i32
      %dma_wait3A_128 = arith.constant 0 : i32
      %dma_wait3A_129 = tpu.memref_slice %arg2[%dma_wait3A_127, %dma_wait3A_128] : memref<16384x256xf32, #tpu.memory_space<hbm>> -> memref<64x256xf32, #tpu.memory_space<hbm>>
      tpu.wait_dma2 semaphore(%arg15 : memref<!tpu.dma_semaphore, #tpu.memory_space<semaphore_mem>>) src(%dma_wait3A_129 : memref<64x256xf32, #tpu.memory_space<hbm>>) dst(%arg12 : memref<64x256xf32, #tpu.memory_space<vmem>>)
      %dma_wait3A_130 = arith.constant 0 : i32
      %dma_wait3A_131 = arith.constant 0 : i32
      %dma_wait3A_132 = tpu.memref_slice %arg2[%dma_wait3A_130, %dma_wait3A_131] : memref<16384x256xf32, #tpu.memory_space<hbm>> -> memref<64x256xf32, #tpu.memory_space<hbm>>
      %dma_wait3A_133 = arith.constant 0 : i32
      %dma_wait3A_134 = arith.constant 0 : i32
      %dma_wait3A_135 = tpu.memref_slice %arg2[%dma_wait3A_133, %dma_wait3A_134] : memref<16384x256xf32, #tpu.memory_space<hbm>> -> memref<64x256xf32, #tpu.memory_space<hbm>>
      tpu.wait_dma2 semaphore(%arg15 : memref<!tpu.dma_semaphore, #tpu.memory_space<semaphore_mem>>) src(%dma_wait3A_135 : memref<64x256xf32, #tpu.memory_space<hbm>>) dst(%arg13 : memref<64x256xf32, #tpu.memory_space<vmem>>)
      %mul3A_136 = arith.constant 64 : i32
      %mul3A_137 = arith.muli %add3A_110, %mul3A_136 : i32
      %add3A_138 = arith.addi %mul3A_2, %mul3A_137 : i32
      %dma_start3A_139 = arith.constant 0 : i32
      %dma_start3A_140 = tpu.memref_slice %arg4[%add3A_138, %dma_start3A_139] : memref<65536x256xf32, #tpu.memory_space<hbm>> -> memref<64x256xf32, #tpu.memory_space<hbm>>
      %dma_start3A_141 = arith.constant 0 : i32
      %dma_start3A_142 = tpu.memref_slice %arg4[%add3A_138, %dma_start3A_141] : memref<65536x256xf32, #tpu.memory_space<hbm>> -> memref<64x256xf32, #tpu.memory_space<hbm>>
      tpu.enqueue_dma source(%arg11 : memref<64x256xf32, #tpu.memory_space<vmem>>) target(%dma_start3A_142 : memref<64x256xf32, #tpu.memory_space<hbm>>) target_semaphore(%arg17 : memref<!tpu.dma_semaphore, #tpu.memory_space<semaphore_mem>>)
      %add3A_143 = arith.addi %mul3A_2, %mul3A_137 : i32
      %dma_start3A_144 = arith.constant 0 : i32
      %dma_start3A_145 = tpu.memref_slice %arg5[%add3A_143, %dma_start3A_144] : memref<65536x256xf32, #tpu.memory_space<hbm>> -> memref<64x256xf32, #tpu.memory_space<hbm>>
      %dma_start3A_146 = arith.constant 0 : i32
      %dma_start3A_147 = tpu.memref_slice %arg5[%add3A_143, %dma_start3A_146] : memref<65536x256xf32, #tpu.memory_space<hbm>> -> memref<64x256xf32, #tpu.memory_space<hbm>>
      tpu.enqueue_dma source(%arg12 : memref<64x256xf32, #tpu.memory_space<vmem>>) target(%dma_start3A_147 : memref<64x256xf32, #tpu.memory_space<hbm>>) target_semaphore(%arg17 : memref<!tpu.dma_semaphore, #tpu.memory_space<semaphore_mem>>)
      %add3A_148 = arith.addi %mul3A_2, %mul3A_137 : i32
      %dma_start3A_149 = arith.constant 0 : i32
      %dma_start3A_150 = tpu.memref_slice %arg6[%add3A_148, %dma_start3A_149] : memref<65536x256xf32, #tpu.memory_space<hbm>> -> memref<64x256xf32, #tpu.memory_space<hbm>>
      %dma_start3A_151 = arith.constant 0 : i32
      %dma_start3A_152 = tpu.memref_slice %arg6[%add3A_148, %dma_start3A_151] : memref<65536x256xf32, #tpu.memory_space<hbm>> -> memref<64x256xf32, #tpu.memory_space<hbm>>
      tpu.enqueue_dma source(%arg13 : memref<64x256xf32, #tpu.memory_space<vmem>>) target(%dma_start3A_152 : memref<64x256xf32, #tpu.memory_space<hbm>>) target_semaphore(%arg17 : memref<!tpu.dma_semaphore, #tpu.memory_space<semaphore_mem>>)
    }
    %scan3A_27 = arith.constant 16 : i32
    %dma_wait3A = arith.constant 0 : i32
    %dma_wait3A_28 = arith.constant 0 : i32
    %dma_wait3A_29 = tpu.memref_slice %arg4[%dma_wait3A, %dma_wait3A_28] : memref<65536x256xf32, #tpu.memory_space<hbm>> -> memref<64x256xf32, #tpu.memory_space<hbm>>
    %dma_wait3A_30 = arith.constant 0 : i32
    %dma_wait3A_31 = arith.constant 0 : i32
    %dma_wait3A_32 = tpu.memref_slice %arg4[%dma_wait3A_30, %dma_wait3A_31] : memref<65536x256xf32, #tpu.memory_space<hbm>> -> memref<64x256xf32, #tpu.memory_space<hbm>>
    tpu.wait_dma2 semaphore(%arg16 : memref<!tpu.dma_semaphore, #tpu.memory_space<semaphore_mem>>) src(%dma_wait3A_32 : memref<64x256xf32, #tpu.memory_space<hbm>>) dst(%arg8 : memref<64x256xf32, #tpu.memory_space<vmem>>)
    %dma_wait3A_33 = arith.constant 0 : i32
    %dma_wait3A_34 = arith.constant 0 : i32
    %dma_wait3A_35 = tpu.memref_slice %arg4[%dma_wait3A_33, %dma_wait3A_34] : memref<65536x256xf32, #tpu.memory_space<hbm>> -> memref<64x256xf32, #tpu.memory_space<hbm>>
    %dma_wait3A_36 = arith.constant 0 : i32
    %dma_wait3A_37 = arith.constant 0 : i32
    %dma_wait3A_38 = tpu.memref_slice %arg4[%dma_wait3A_36, %dma_wait3A_37] : memref<65536x256xf32, #tpu.memory_space<hbm>> -> memref<64x256xf32, #tpu.memory_space<hbm>>
    tpu.wait_dma2 semaphore(%arg16 : memref<!tpu.dma_semaphore, #tpu.memory_space<semaphore_mem>>) src(%dma_wait3A_38 : memref<64x256xf32, #tpu.memory_space<hbm>>) dst(%arg9 : memref<64x256xf32, #tpu.memory_space<vmem>>)
    %dma_wait3A_39 = arith.constant 0 : i32
    %dma_wait3A_40 = arith.constant 0 : i32
    %dma_wait3A_41 = tpu.memref_slice %arg4[%dma_wait3A_39, %dma_wait3A_40] : memref<65536x256xf32, #tpu.memory_space<hbm>> -> memref<64x256xf32, #tpu.memory_space<hbm>>
    %dma_wait3A_42 = arith.constant 0 : i32
    %dma_wait3A_43 = arith.constant 0 : i32
    %dma_wait3A_44 = tpu.memref_slice %arg4[%dma_wait3A_42, %dma_wait3A_43] : memref<65536x256xf32, #tpu.memory_space<hbm>> -> memref<64x256xf32, #tpu.memory_space<hbm>>
    tpu.wait_dma2 semaphore(%arg16 : memref<!tpu.dma_semaphore, #tpu.memory_space<semaphore_mem>>) src(%dma_wait3A_44 : memref<64x256xf32, #tpu.memory_space<hbm>>) dst(%arg10 : memref<64x256xf32, #tpu.memory_space<vmem>>)
    %dma_wait3A_45 = arith.constant 0 : i32
    %dma_wait3A_46 = arith.constant 0 : i32
    %dma_wait3A_47 = tpu.memref_slice %arg4[%dma_wait3A_45, %dma_wait3A_46] : memref<65536x256xf32, #tpu.memory_space<hbm>> -> memref<64x256xf32, #tpu.memory_space<hbm>>
    %dma_wait3A_48 = arith.constant 0 : i32
    %dma_wait3A_49 = arith.constant 0 : i32
    %dma_wait3A_50 = tpu.memref_slice %arg4[%dma_wait3A_48, %dma_wait3A_49] : memref<65536x256xf32, #tpu.memory_space<hbm>> -> memref<64x256xf32, #tpu.memory_space<hbm>>
    tpu.wait_dma2 semaphore(%arg17 : memref<!tpu.dma_semaphore, #tpu.memory_space<semaphore_mem>>) src(%dma_wait3A_50 : memref<64x256xf32, #tpu.memory_space<hbm>>) dst(%arg11 : memref<64x256xf32, #tpu.memory_space<vmem>>)
    %dma_wait3A_51 = arith.constant 0 : i32
    %dma_wait3A_52 = arith.constant 0 : i32
    %dma_wait3A_53 = tpu.memref_slice %arg4[%dma_wait3A_51, %dma_wait3A_52] : memref<65536x256xf32, #tpu.memory_space<hbm>> -> memref<64x256xf32, #tpu.memory_space<hbm>>
    %dma_wait3A_54 = arith.constant 0 : i32
    %dma_wait3A_55 = arith.constant 0 : i32
    %dma_wait3A_56 = tpu.memref_slice %arg4[%dma_wait3A_54, %dma_wait3A_55] : memref<65536x256xf32, #tpu.memory_space<hbm>> -> memref<64x256xf32, #tpu.memory_space<hbm>>
    tpu.wait_dma2 semaphore(%arg17 : memref<!tpu.dma_semaphore, #tpu.memory_space<semaphore_mem>>) src(%dma_wait3A_56 : memref<64x256xf32, #tpu.memory_space<hbm>>) dst(%arg12 : memref<64x256xf32, #tpu.memory_space<vmem>>)
    %dma_wait3A_57 = arith.constant 0 : i32
    %dma_wait3A_58 = arith.constant 0 : i32
    %dma_wait3A_59 = tpu.memref_slice %arg4[%dma_wait3A_57, %dma_wait3A_58] : memref<65536x256xf32, #tpu.memory_space<hbm>> -> memref<64x256xf32, #tpu.memory_space<hbm>>
    %dma_wait3A_60 = arith.constant 0 : i32
    %dma_wait3A_61 = arith.constant 0 : i32
    %dma_wait3A_62 = tpu.memref_slice %arg4[%dma_wait3A_60, %dma_wait3A_61] : memref<65536x256xf32, #tpu.memory_space<hbm>> -> memref<64x256xf32, #tpu.memory_space<hbm>>
    tpu.wait_dma2 semaphore(%arg17 : memref<!tpu.dma_semaphore, #tpu.memory_space<semaphore_mem>>) src(%dma_wait3A_62 : memref<64x256xf32, #tpu.memory_space<hbm>>) dst(%arg13 : memref<64x256xf32, #tpu.memory_space<vmem>>)
    return
  }
}

module attributes {stable_mosaic.version = 14 : i64} {
  func.func @_knn_body(%arg0: i32, %arg1: i32, %arg2: memref<1x3x512xf32, #tpu.memory_space<vmem>>, %arg3: memref<1x1024x3xf32, #tpu.memory_space<vmem>>, %arg4: memref<3x512xi32, #tpu.memory_space<vmem>>, %arg5: memref<3x512xf32, #tpu.memory_space<vmem>>) attributes {dimension_semantics = [#tpu.dimension_semantics<arbitrary>, #tpu.dimension_semantics<arbitrary>], iteration_bounds = array<i64: 16, 8>, scalar_prefetch = 0 : i64, scratch_operands = 0 : i64, tpu.core_type = #tpu.core_type<tc>, window_params = [{transform_indices = @transform_0, window_bounds = array<i64: 1, 3, 512>}, {transform_indices = @transform_1, window_bounds = array<i64: 1, 1024, 3>}, {transform_indices = @transform_2, window_bounds = array<i64: 3, 512>}, {transform_indices = @transform_3, window_bounds = array<i64: 3, 512>}]} {
    %get3A = arith.constant 0 : index
    %get3A_0 = arith.constant 0 : index
    %get3A_1 = arith.constant 0 : index
    %get3A_2 = vector.load %arg2[%get3A, %get3A_0, %get3A_1] : memref<1x3x512xf32, #tpu.memory_space<vmem>>, vector<1x3x512xf32>
    %get3A_3 = vector.shape_cast %get3A_2 : vector<1x3x512xf32> to vector<3x512xf32>
    %get3A_4 = arith.constant 0 : index
    %get3A_5 = arith.constant 0 : index
    %get3A_6 = arith.constant 0 : index
    %get3A_7 = vector.load %arg3[%get3A_4, %get3A_5, %get3A_6] : memref<1x1024x3xf32, #tpu.memory_space<vmem>>, vector<1x1024x3xf32>
    %get3A_8 = vector.shape_cast %get3A_7 : vector<1x1024x3xf32> to vector<1024x3xf32>
    %slice3A = vector.extract_strided_slice %get3A_3 {offsets = [0, 0], sizes = [1, 512], strides = [1, 1]} : vector<3x512xf32> to vector<1x512xf32>
    %slice3A_9 = vector.extract_strided_slice %get3A_3 {offsets = [1, 0], sizes = [1, 512], strides = [1, 1]} : vector<3x512xf32> to vector<1x512xf32>
    %slice3A_10 = vector.extract_strided_slice %get3A_3 {offsets = [2, 0], sizes = [1, 512], strides = [1, 1]} : vector<3x512xf32> to vector<1x512xf32>
    %slice3A_11 = vector.extract_strided_slice %get3A_8 {offsets = [0, 0], sizes = [1024, 1], strides = [1, 1]} : vector<1024x3xf32> to vector<1024x1xf32>
    %slice3A_12 = vector.extract_strided_slice %get3A_8 {offsets = [0, 1], sizes = [1024, 1], strides = [1, 1]} : vector<1024x3xf32> to vector<1024x1xf32>
    %slice3A_13 = vector.extract_strided_slice %get3A_8 {offsets = [0, 2], sizes = [1024, 1], strides = [1, 1]} : vector<1024x3xf32> to vector<1024x1xf32>
    %mul3A = arith.mulf %slice3A, %slice3A : vector<1x512xf32>
    %mul3A_14 = arith.mulf %slice3A_9, %slice3A_9 : vector<1x512xf32>
    %add3A = arith.addf %mul3A, %mul3A_14 : vector<1x512xf32>
    %mul3A_15 = arith.mulf %slice3A_10, %slice3A_10 : vector<1x512xf32>
    %add3A_16 = arith.addf %add3A, %mul3A_15 : vector<1x512xf32>
    %mul3A_17 = arith.mulf %slice3A_11, %slice3A_11 : vector<1024x1xf32>
    %mul3A_18 = arith.mulf %slice3A_12, %slice3A_12 : vector<1024x1xf32>
    %add3A_19 = arith.addf %mul3A_17, %mul3A_18 : vector<1024x1xf32>
    %mul3A_20 = arith.mulf %slice3A_13, %slice3A_13 : vector<1024x1xf32>
    %add3A_21 = arith.addf %add3A_19, %mul3A_20 : vector<1024x1xf32>
    %convert_element_type3A = arith.truncf %get3A_8 : vector<1024x3xf32> to vector<1024x3xbf16>
    %convert_element_type3A_22 = arith.truncf %get3A_3 : vector<3x512xf32> to vector<3x512xbf16>
    %dot_general3A = arith.constant dense<0.000000e+00> : vector<1024x512xf32>
    %dot_general3A_23 = tpu.matmul %convert_element_type3A, %convert_element_type3A_22, %dot_general3A {dimension_numbers = #tpu.dot_dimension_numbers<[1], [0], [0], [1], [0, 0, 1, 1], [], []>, transpose_lhs_hint = false} : vector<1024x3xbf16>, vector<3x512xbf16>, vector<1024x512xf32> -> vector<1024x512xf32>
    %mul3A_24 = arith.constant -2.000000e+00 : f32
    %mul3A_25 = vector.broadcast %mul3A_24 : f32 to vector<1024x512xf32>
    %mul3A_26 = arith.mulf %mul3A_25, %dot_general3A_23 : vector<1024x512xf32>
    %add3A_27 = vector.broadcast %add3A_16 : vector<1x512xf32> to vector<1024x512xf32>
    %add3A_28 = arith.addf %mul3A_26, %add3A_27 : vector<1024x512xf32>
    %add3A_29 = vector.broadcast %add3A_21 : vector<1024x1xf32> to vector<1024x512xf32>
    %add3A_30 = arith.addf %add3A_28, %add3A_29 : vector<1024x512xf32>
    %iota3A = tpu.iota {dimensions = array<i32: 0>} : vector<1024x512xi32>
    %reduce_min3A = arith.constant dense<0x7F800000> : vector<512xf32>
    %reduce_min3A_31 = vector.multi_reduction <minimumf>, %add3A_30, %reduce_min3A [0] : vector<1024x512xf32> to vector<512xf32>
    %broadcast_in_dim3A = vector.shape_cast %reduce_min3A_31 : vector<512xf32> to vector<1x512xf32>
    %eq3A = vector.broadcast %broadcast_in_dim3A : vector<1x512xf32> to vector<1024x512xf32>
    %eq3A_32 = arith.cmpf oeq, %add3A_30, %eq3A : vector<1024x512xf32>
    %jit3A = arith.constant 1024 : i32
    %broadcast_in_dim3A_33 = vector.broadcast %jit3A : i32 to vector<1024x512xi32>
    %select_n3A = arith.select %eq3A_32, %iota3A, %broadcast_in_dim3A_33 : vector<1024x512xi1>, vector<1024x512xi32>
    %reduce_min3A_34 = arith.constant dense<2147483647> : vector<512xi32>
    %reduce_min3A_35 = vector.multi_reduction <minsi>, %select_n3A, %reduce_min3A_34 [0] : vector<1024x512xi32> to vector<512xi32>
    %broadcast_in_dim3A_36 = vector.shape_cast %reduce_min3A_35 : vector<512xi32> to vector<1x512xi32>
    %eq3A_37 = vector.broadcast %broadcast_in_dim3A_36 : vector<1x512xi32> to vector<1024x512xi32>
    %eq3A_38 = arith.cmpi eq, %iota3A, %eq3A_37 : vector<1024x512xi32>
    %jit3A_39 = arith.constant 3.000000e+38 : f32
    %broadcast_in_dim3A_40 = vector.broadcast %jit3A_39 : f32 to vector<1024x512xf32>
    %select_n3A_41 = arith.select %eq3A_38, %broadcast_in_dim3A_40, %add3A_30 : vector<1024x512xi1>, vector<1024x512xf32>
    %reduce_min3A_42 = arith.constant dense<0x7F800000> : vector<512xf32>
    %reduce_min3A_43 = vector.multi_reduction <minimumf>, %select_n3A_41, %reduce_min3A_42 [0] : vector<1024x512xf32> to vector<512xf32>
    %broadcast_in_dim3A_44 = vector.shape_cast %reduce_min3A_43 : vector<512xf32> to vector<1x512xf32>
    %eq3A_45 = vector.broadcast %broadcast_in_dim3A_44 : vector<1x512xf32> to vector<1024x512xf32>
    %eq3A_46 = arith.cmpf oeq, %select_n3A_41, %eq3A_45 : vector<1024x512xf32>
    %jit3A_47 = arith.constant 1024 : i32
    %broadcast_in_dim3A_48 = vector.broadcast %jit3A_47 : i32 to vector<1024x512xi32>
    %select_n3A_49 = arith.select %eq3A_46, %iota3A, %broadcast_in_dim3A_48 : vector<1024x512xi1>, vector<1024x512xi32>
    %reduce_min3A_50 = arith.constant dense<2147483647> : vector<512xi32>
    %reduce_min3A_51 = vector.multi_reduction <minsi>, %select_n3A_49, %reduce_min3A_50 [0] : vector<1024x512xi32> to vector<512xi32>
    %broadcast_in_dim3A_52 = vector.shape_cast %reduce_min3A_51 : vector<512xi32> to vector<1x512xi32>
    %eq3A_53 = vector.broadcast %broadcast_in_dim3A_52 : vector<1x512xi32> to vector<1024x512xi32>
    %eq3A_54 = arith.cmpi eq, %iota3A, %eq3A_53 : vector<1024x512xi32>
    %jit3A_55 = arith.constant 3.000000e+38 : f32
    %broadcast_in_dim3A_56 = vector.broadcast %jit3A_55 : f32 to vector<1024x512xf32>
    %select_n3A_57 = arith.select %eq3A_54, %broadcast_in_dim3A_56, %select_n3A_41 : vector<1024x512xi1>, vector<1024x512xf32>
    %reduce_min3A_58 = arith.constant dense<0x7F800000> : vector<512xf32>
    %reduce_min3A_59 = vector.multi_reduction <minimumf>, %select_n3A_57, %reduce_min3A_58 [0] : vector<1024x512xf32> to vector<512xf32>
    %broadcast_in_dim3A_60 = vector.shape_cast %reduce_min3A_59 : vector<512xf32> to vector<1x512xf32>
    %eq3A_61 = vector.broadcast %broadcast_in_dim3A_60 : vector<1x512xf32> to vector<1024x512xf32>
    %eq3A_62 = arith.cmpf oeq, %select_n3A_57, %eq3A_61 : vector<1024x512xf32>
    %jit3A_63 = arith.constant 1024 : i32
    %broadcast_in_dim3A_64 = vector.broadcast %jit3A_63 : i32 to vector<1024x512xi32>
    %select_n3A_65 = arith.select %eq3A_62, %iota3A, %broadcast_in_dim3A_64 : vector<1024x512xi1>, vector<1024x512xi32>
    %reduce_min3A_66 = arith.constant dense<2147483647> : vector<512xi32>
    %reduce_min3A_67 = vector.multi_reduction <minsi>, %select_n3A_65, %reduce_min3A_66 [0] : vector<1024x512xi32> to vector<512xi32>
    %broadcast_in_dim3A_68 = vector.shape_cast %reduce_min3A_67 : vector<512xi32> to vector<1x512xi32>
    %lt3A = arith.constant 1.000000e+10 : f32
    %lt3A_69 = vector.broadcast %lt3A : f32 to vector<1x512xf32>
    %lt3A_70 = arith.cmpf olt, %broadcast_in_dim3A, %lt3A_69 : vector<1x512xf32>
    %jit3A_71 = arith.constant 1.000000e-10 : f32
    %broadcast_in_dim3A_72 = vector.broadcast %jit3A_71 : f32 to vector<1x512xf32>
    %select_n3A_73 = arith.select %lt3A_70, %broadcast_in_dim3A_72, %broadcast_in_dim3A : vector<1x512xi1>, vector<1x512xf32>
    %div3A = arith.constant 1.000000e+00 : f32
    %div3A_74 = vector.broadcast %div3A : f32 to vector<1x512xf32>
    %div3A_75 = arith.divf %div3A_74, %select_n3A_73 : vector<1x512xf32>
    %lt3A_76 = arith.constant 1.000000e+10 : f32
    %lt3A_77 = vector.broadcast %lt3A_76 : f32 to vector<1x512xf32>
    %lt3A_78 = arith.cmpf olt, %broadcast_in_dim3A_44, %lt3A_77 : vector<1x512xf32>
    %jit3A_79 = arith.constant 1.000000e-10 : f32
    %broadcast_in_dim3A_80 = vector.broadcast %jit3A_79 : f32 to vector<1x512xf32>
    %select_n3A_81 = arith.select %lt3A_78, %broadcast_in_dim3A_80, %broadcast_in_dim3A_44 : vector<1x512xi1>, vector<1x512xf32>
    %div3A_82 = arith.constant 1.000000e+00 : f32
    %div3A_83 = vector.broadcast %div3A_82 : f32 to vector<1x512xf32>
    %div3A_84 = arith.divf %div3A_83, %select_n3A_81 : vector<1x512xf32>
    %lt3A_85 = arith.constant 1.000000e+10 : f32
    %lt3A_86 = vector.broadcast %lt3A_85 : f32 to vector<1x512xf32>
    %lt3A_87 = arith.cmpf olt, %broadcast_in_dim3A_60, %lt3A_86 : vector<1x512xf32>
    %jit3A_88 = arith.constant 1.000000e-10 : f32
    %broadcast_in_dim3A_89 = vector.broadcast %jit3A_88 : f32 to vector<1x512xf32>
    %select_n3A_90 = arith.select %lt3A_87, %broadcast_in_dim3A_89, %broadcast_in_dim3A_60 : vector<1x512xi1>, vector<1x512xf32>
    %div3A_91 = arith.constant 1.000000e+00 : f32
    %div3A_92 = vector.broadcast %div3A_91 : f32 to vector<1x512xf32>
    %div3A_93 = arith.divf %div3A_92, %select_n3A_90 : vector<1x512xf32>
    %add3A_94 = arith.addf %div3A_75, %div3A_84 : vector<1x512xf32>
    %add3A_95 = arith.addf %add3A_94, %div3A_93 : vector<1x512xf32>
    %mul3A_96 = arith.constant 1024 : i32
    %mul3A_97 = arith.muli %arg0, %mul3A_96 : i32
    %add3A_98 = vector.broadcast %mul3A_97 : i32 to vector<1x512xi32>
    %add3A_99 = arith.addi %broadcast_in_dim3A_36, %add3A_98 : vector<1x512xi32>
    %swap3A = arith.constant 0 : index
    %swap3A_100 = arith.constant 0 : index
    %swap3A_101 = vector.load %arg4[%swap3A, %swap3A_100] : memref<3x512xi32, #tpu.memory_space<vmem>>, vector<1x512xi32>
    tpu.vector_store %arg4[%swap3A, %swap3A_100], %add3A_99 {strides = array<i32>} : memref<3x512xi32, #tpu.memory_space<vmem>>, vector<1x512xi32>,
    %div3A_102 = arith.divf %div3A_75, %add3A_95 : vector<1x512xf32>
    %swap3A_103 = arith.constant 0 : index
    %swap3A_104 = arith.constant 0 : index
    %swap3A_105 = vector.load %arg5[%swap3A_103, %swap3A_104] : memref<3x512xf32, #tpu.memory_space<vmem>>, vector<1x512xf32>
    tpu.vector_store %arg5[%swap3A_103, %swap3A_104], %div3A_102 {strides = array<i32>} : memref<3x512xf32, #tpu.memory_space<vmem>>, vector<1x512xf32>,
    %add3A_106 = vector.broadcast %mul3A_97 : i32 to vector<1x512xi32>
    %add3A_107 = arith.addi %broadcast_in_dim3A_52, %add3A_106 : vector<1x512xi32>
    %swap3A_108 = arith.constant 1 : index
    %swap3A_109 = arith.constant 0 : index
    %swap3A_110 = vector.load %arg4[%swap3A_108, %swap3A_109] : memref<3x512xi32, #tpu.memory_space<vmem>>, vector<1x512xi32>
    tpu.vector_store %arg4[%swap3A_108, %swap3A_109], %add3A_107 {strides = array<i32>} : memref<3x512xi32, #tpu.memory_space<vmem>>, vector<1x512xi32>,
    %div3A_111 = arith.divf %div3A_84, %add3A_95 : vector<1x512xf32>
    %swap3A_112 = arith.constant 1 : index
    %swap3A_113 = arith.constant 0 : index
    %swap3A_114 = vector.load %arg5[%swap3A_112, %swap3A_113] : memref<3x512xf32, #tpu.memory_space<vmem>>, vector<1x512xf32>
    tpu.vector_store %arg5[%swap3A_112, %swap3A_113], %div3A_111 {strides = array<i32>} : memref<3x512xf32, #tpu.memory_space<vmem>>, vector<1x512xf32>,
    %add3A_115 = vector.broadcast %mul3A_97 : i32 to vector<1x512xi32>
    %add3A_116 = arith.addi %broadcast_in_dim3A_68, %add3A_115 : vector<1x512xi32>
    %swap3A_117 = arith.constant 2 : index
    %swap3A_118 = arith.constant 0 : index
    %swap3A_119 = vector.load %arg4[%swap3A_117, %swap3A_118] : memref<3x512xi32, #tpu.memory_space<vmem>>, vector<1x512xi32>
    tpu.vector_store %arg4[%swap3A_117, %swap3A_118], %add3A_116 {strides = array<i32>} : memref<3x512xi32, #tpu.memory_space<vmem>>, vector<1x512xi32>,
    %div3A_120 = arith.divf %div3A_93, %add3A_95 : vector<1x512xf32>
    %swap3A_121 = arith.constant 2 : index
    %swap3A_122 = arith.constant 0 : index
    %swap3A_123 = vector.load %arg5[%swap3A_121, %swap3A_122] : memref<3x512xf32, #tpu.memory_space<vmem>>, vector<1x512xf32>
    tpu.vector_store %arg5[%swap3A_121, %swap3A_122], %div3A_120 {strides = array<i32>} : memref<3x512xf32, #tpu.memory_space<vmem>>, vector<1x512xf32>,
    return
  }
  func.func @transform_0(%arg0: i32, %arg1: i32) -> (i32, i32, i32) {
    %c0_i32 = arith.constant 0 : i32
    %c0_i32_0 = arith.constant 0 : i32
    return %arg0, %c0_i32, %arg1 : i32, i32, i32
  }
  func.func @transform_1(%arg0: i32, %arg1: i32) -> (i32, i32, i32) {
    %c0_i32 = arith.constant 0 : i32
    %c0_i32_0 = arith.constant 0 : i32
    %c0_i32_1 = arith.constant 0 : i32
    return %arg0, %c0_i32, %c0_i32_0 : i32, i32, i32
  }
  func.func @transform_2(%arg0: i32, %arg1: i32) -> (i32, i32) {
    %mul3A = arith.constant 8 : i32
    %mul3A_0 = arith.muli %arg0, %mul3A : i32
    %add3A = arith.addi %mul3A_0, %arg1 : i32
    %c0_i32 = arith.constant 0 : i32
    %c0_i32_1 = arith.constant 0 : i32
    return %c0_i32, %add3A : i32, i32
  }
  func.func @transform_3(%arg0: i32, %arg1: i32) -> (i32, i32) {
    %mul3A = arith.constant 8 : i32
    %mul3A_0 = arith.muli %arg0, %mul3A : i32
    %add3A = arith.addi %mul3A_0, %arg1 : i32
    %c0_i32 = arith.constant 0 : i32
    %c0_i32_1 = arith.constant 0 : i32
    return %c0_i32, %add3A : i32, i32
  }
}

module attributes {stable_mosaic.version = 14 : i64} {
  func.func @_mlp1_body(%arg0: i32, %arg1: memref<512x131xf32, #tpu.memory_space<vmem>>, %arg2: memref<512x256xf32, #tpu.memory_space<vmem>>, %arg3: memref<512x256xf32, #tpu.memory_space<vmem>>, %arg4: memref<512x256xf32, #tpu.memory_space<vmem>>, %arg5: memref<512x3xf32, #tpu.memory_space<vmem>>, %arg6: memref<131x256xf32, #tpu.memory_space<vmem>>, %arg7: memref<256x256xf32, #tpu.memory_space<vmem>>, %arg8: memref<1x256xf32, #tpu.memory_space<vmem>>, %arg9: memref<512x256xf32, #tpu.memory_space<vmem>>, %arg10: memref<8x256xf32, #tpu.memory_space<vmem>>) attributes {dimension_semantics = [#tpu.dimension_semantics<arbitrary>], iteration_bounds = array<i64: 128>, scalar_prefetch = 0 : i64, scratch_operands = 0 : i64, tpu.core_type = #tpu.core_type<tc>, window_params = [{transform_indices = @transform_0, window_bounds = array<i64: 512, 131>}, {transform_indices = @transform_1, window_bounds = array<i64: 512, 256>}, {transform_indices = @transform_2, window_bounds = array<i64: 512, 256>}, {transform_indices = @transform_3, window_bounds = array<i64: 512, 256>}, {transform_indices = @transform_4, window_bounds = array<i64: 512, 3>}, {pipeline_mode = #tpu.pipeline_mode<synchronous>, transform_indices = @transform_5, window_bounds = array<i64: 131, 256>}, {pipeline_mode = #tpu.pipeline_mode<synchronous>, transform_indices = @transform_6, window_bounds = array<i64: 256, 256>}, {pipeline_mode = #tpu.pipeline_mode<synchronous>, transform_indices = @transform_7, window_bounds = array<i64: 1, 256>}, {transform_indices = @transform_8, window_bounds = array<i64: 512, 256>}, {pipeline_mode = #tpu.pipeline_mode<synchronous>, transform_indices = @transform_9, window_bounds = array<i64: 8, 256>}]} {
    %get3A = arith.constant 0 : index
    %get3A_0 = arith.constant 0 : index
    %get3A_1 = vector.load %arg5[%get3A, %get3A_0] : memref<512x3xf32, #tpu.memory_space<vmem>>, vector<512x3xf32>
    %get3A_2 = arith.constant 0 : index
    %get3A_3 = arith.constant 0 : index
    %get3A_4 = vector.load %arg2[%get3A_2, %get3A_3] : memref<512x256xf32, #tpu.memory_space<vmem>>, vector<512x256xf32>
    %slice3A = vector.extract_strided_slice %get3A_1 {offsets = [0, 0], sizes = [512, 1], strides = [1, 1]} : vector<512x3xf32> to vector<512x1xf32>
    %mul3A = vector.broadcast %slice3A : vector<512x1xf32> to vector<512x256xf32>
    %mul3A_5 = arith.mulf %get3A_4, %mul3A : vector<512x256xf32>
    %get3A_6 = arith.constant 0 : index
    %get3A_7 = arith.constant 0 : index
    %get3A_8 = vector.load %arg3[%get3A_6, %get3A_7] : memref<512x256xf32, #tpu.memory_space<vmem>>, vector<512x256xf32>
    %slice3A_9 = vector.extract_strided_slice %get3A_1 {offsets = [0, 1], sizes = [512, 1], strides = [1, 1]} : vector<512x3xf32> to vector<512x1xf32>
    %mul3A_10 = vector.broadcast %slice3A_9 : vector<512x1xf32> to vector<512x256xf32>
    %mul3A_11 = arith.mulf %get3A_8, %mul3A_10 : vector<512x256xf32>
    %add3A = arith.addf %mul3A_5, %mul3A_11 : vector<512x256xf32>
    %get3A_12 = arith.constant 0 : index
    %get3A_13 = arith.constant 0 : index
    %get3A_14 = vector.load %arg4[%get3A_12, %get3A_13] : memref<512x256xf32, #tpu.memory_space<vmem>>, vector<512x256xf32>
    %slice3A_15 = vector.extract_strided_slice %get3A_1 {offsets = [0, 2], sizes = [512, 1], strides = [1, 1]} : vector<512x3xf32> to vector<512x1xf32>
    %mul3A_16 = vector.broadcast %slice3A_15 : vector<512x1xf32> to vector<512x256xf32>
    %mul3A_17 = arith.mulf %get3A_14, %mul3A_16 : vector<512x256xf32>
    %add3A_18 = arith.addf %add3A, %mul3A_17 : vector<512x256xf32>
    %get3A_19 = arith.constant 0 : index
    %get3A_20 = arith.constant 0 : index
    %get3A_21 = vector.load %arg1[%get3A_19, %get3A_20] : memref<512x131xf32, #tpu.memory_space<vmem>>, vector<512x131xf32>
    %get3A_22 = arith.constant 0 : index
    %get3A_23 = arith.constant 0 : index
    %get3A_24 = vector.load %arg6[%get3A_22, %get3A_23] : memref<131x256xf32, #tpu.memory_space<vmem>>, vector<131x256xf32>
    %dot_general3A = arith.constant dense<0.000000e+00> : vector<512x256xf32>
    %dot_general3A_25 = tpu.matmul %get3A_21, %get3A_24, %dot_general3A {dimension_numbers = #tpu.dot_dimension_numbers<[1], [0], [0], [1], [0, 0, 1, 1], [], []>, transpose_lhs_hint = false} : vector<512x131xf32>, vector<131x256xf32>, vector<512x256xf32> -> vector<512x256xf32>
    %get3A_26 = arith.constant 0 : index
    %get3A_27 = arith.constant 0 : index
    %get3A_28 = vector.load %arg7[%get3A_26, %get3A_27] : memref<256x256xf32, #tpu.memory_space<vmem>>, vector<256x256xf32>
    %dot_general3A_29 = arith.constant dense<0.000000e+00> : vector<512x256xf32>
    %dot_general3A_30 = tpu.matmul %add3A_18, %get3A_28, %dot_general3A_29 {dimension_numbers = #tpu.dot_dimension_numbers<[1], [0], [0], [1], [0, 0, 1, 1], [], []>, transpose_lhs_hint = false} : vector<512x256xf32>, vector<256x256xf32>, vector<512x256xf32> -> vector<512x256xf32>
    %add3A_31 = arith.addf %dot_general3A_25, %dot_general3A_30 : vector<512x256xf32>
    %get3A_32 = arith.constant 0 : index
    %get3A_33 = arith.constant 0 : index
    %get3A_34 = vector.load %arg8[%get3A_32, %get3A_33] : memref<1x256xf32, #tpu.memory_space<vmem>>, vector<1x256xf32>
    %add3A_35 = vector.broadcast %get3A_34 : vector<1x256xf32> to vector<512x256xf32>
    %add3A_36 = arith.addf %add3A_31, %add3A_35 : vector<512x256xf32>
    %swap3A = arith.constant 0 : index
    %swap3A_37 = arith.constant 0 : index
    %swap3A_38 = vector.load %arg9[%swap3A, %swap3A_37] : memref<512x256xf32, #tpu.memory_space<vmem>>, vector<512x256xf32>
    tpu.vector_store %arg9[%swap3A, %swap3A_37], %add3A_36 {strides = array<i32>} : memref<512x256xf32, #tpu.memory_space<vmem>>, vector<512x256xf32>,
    %eq3A = arith.constant 0 : i32
    %eq3A_39 = arith.cmpi eq, %arg0, %eq3A : i32
    %convert_element_type3A = arith.extui %eq3A_39 : i1 to i32
    %cond3A = arith.constant 0 : i32
    %cond3A_40 = arith.cmpi ne, %convert_element_type3A, %cond3A : i32
    scf.if %cond3A_40 {
      %broadcast_in_dim3A_60 = arith.constant 0.000000e+00 : f32
      %broadcast_in_dim3A_61 = vector.broadcast %broadcast_in_dim3A_60 : f32 to vector<8x256xf32>
      %swap3A_62 = arith.constant 0 : index
      %swap3A_63 = arith.constant 0 : index
      %swap3A_64 = vector.load %arg10[%swap3A_62, %swap3A_63] : memref<8x256xf32, #tpu.memory_space<vmem>>, vector<8x256xf32>
      tpu.vector_store %arg10[%swap3A_62, %swap3A_63], %broadcast_in_dim3A_61 {strides = array<i32>} : memref<8x256xf32, #tpu.memory_space<vmem>>, vector<8x256xf32>,
    } else {
    }
    %get3A_41 = arith.constant 0 : index
    %get3A_42 = arith.constant 0 : index
    %get3A_43 = vector.load %arg10[%get3A_41, %get3A_42] : memref<8x256xf32, #tpu.memory_space<vmem>>, vector<1x256xf32>
    %reduce_sum3A = arith.constant dense<0.000000e+00> : vector<256xf32>
    %reduce_sum3A_44 = vector.multi_reduction <add>, %add3A_36, %reduce_sum3A [0] : vector<512x256xf32> to vector<256xf32>
    %broadcast_in_dim3A = vector.shape_cast %reduce_sum3A_44 : vector<256xf32> to vector<1x256xf32>
    %add3A_45 = arith.addf %get3A_43, %broadcast_in_dim3A : vector<1x256xf32>
    %swap3A_46 = arith.constant 0 : index
    %swap3A_47 = arith.constant 0 : index
    %swap3A_48 = vector.load %arg10[%swap3A_46, %swap3A_47] : memref<8x256xf32, #tpu.memory_space<vmem>>, vector<1x256xf32>
    tpu.vector_store %arg10[%swap3A_46, %swap3A_47], %add3A_45 {strides = array<i32>} : memref<8x256xf32, #tpu.memory_space<vmem>>, vector<1x256xf32>,
    %get3A_49 = arith.constant 1 : index
    %get3A_50 = arith.constant 0 : index
    %get3A_51 = vector.load %arg10[%get3A_49, %get3A_50] : memref<8x256xf32, #tpu.memory_space<vmem>>, vector<1x256xf32>
    %mul3A_52 = arith.mulf %add3A_36, %add3A_36 : vector<512x256xf32>
    %reduce_sum3A_53 = arith.constant dense<0.000000e+00> : vector<256xf32>
    %reduce_sum3A_54 = vector.multi_reduction <add>, %mul3A_52, %reduce_sum3A_53 [0] : vector<512x256xf32> to vector<256xf32>
    %broadcast_in_dim3A_55 = vector.shape_cast %reduce_sum3A_54 : vector<256xf32> to vector<1x256xf32>
    %add3A_56 = arith.addf %get3A_51, %broadcast_in_dim3A_55 : vector<1x256xf32>
    %swap3A_57 = arith.constant 1 : index
    %swap3A_58 = arith.constant 0 : index
    %swap3A_59 = vector.load %arg10[%swap3A_57, %swap3A_58] : memref<8x256xf32, #tpu.memory_space<vmem>>, vector<1x256xf32>
    tpu.vector_store %arg10[%swap3A_57, %swap3A_58], %add3A_56 {strides = array<i32>} : memref<8x256xf32, #tpu.memory_space<vmem>>, vector<1x256xf32>,
    return
  }
  func.func @transform_0(%arg0: i32) -> (i32, i32) {
    %c0_i32 = arith.constant 0 : i32
    %c0_i32_0 = arith.constant 0 : i32
    return %arg0, %c0_i32 : i32, i32
  }
  func.func @transform_1(%arg0: i32) -> (i32, i32) {
    %c0_i32 = arith.constant 0 : i32
    %c0_i32_0 = arith.constant 0 : i32
    return %arg0, %c0_i32 : i32, i32
  }
  func.func @transform_2(%arg0: i32) -> (i32, i32) {
    %c0_i32 = arith.constant 0 : i32
    %c0_i32_0 = arith.constant 0 : i32
    return %arg0, %c0_i32 : i32, i32
  }
  func.func @transform_3(%arg0: i32) -> (i32, i32) {
    %c0_i32 = arith.constant 0 : i32
    %c0_i32_0 = arith.constant 0 : i32
    return %arg0, %c0_i32 : i32, i32
  }
  func.func @transform_4(%arg0: i32) -> (i32, i32) {
    %c0_i32 = arith.constant 0 : i32
    %c0_i32_0 = arith.constant 0 : i32
    return %arg0, %c0_i32 : i32, i32
  }
  func.func @transform_5(%arg0: i32) -> (i32, i32) {
    %c0_i32 = arith.constant 0 : i32
    %c0_i32_0 = arith.constant 0 : i32
    %c0_i32_1 = arith.constant 0 : i32
    return %c0_i32, %c0_i32_0 : i32, i32
  }
  func.func @transform_6(%arg0: i32) -> (i32, i32) {
    %c0_i32 = arith.constant 0 : i32
    %c0_i32_0 = arith.constant 0 : i32
    %c0_i32_1 = arith.constant 0 : i32
    return %c0_i32, %c0_i32_0 : i32, i32
  }
  func.func @transform_7(%arg0: i32) -> (i32, i32) {
    %c0_i32 = arith.constant 0 : i32
    %c0_i32_0 = arith.constant 0 : i32
    %c0_i32_1 = arith.constant 0 : i32
    return %c0_i32, %c0_i32_0 : i32, i32
  }
  func.func @transform_8(%arg0: i32) -> (i32, i32) {
    %c0_i32 = arith.constant 0 : i32
    %c0_i32_0 = arith.constant 0 : i32
    return %arg0, %c0_i32 : i32, i32
  }
  func.func @transform_9(%arg0: i32) -> (i32, i32) {
    %c0_i32 = arith.constant 0 : i32
    %c0_i32_0 = arith.constant 0 : i32
    %c0_i32_1 = arith.constant 0 : i32
    return %c0_i32, %c0_i32_0 : i32, i32
  }
}

module attributes {stable_mosaic.version = 14 : i64} {
  func.func @_mlp2_body(%arg0: i32, %arg1: memref<512x256xf32, #tpu.memory_space<vmem>>, %arg2: memref<8x256xf32, #tpu.memory_space<vmem>>, %arg3: memref<256x128xf32, #tpu.memory_space<vmem>>, %arg4: memref<1x128xf32, #tpu.memory_space<vmem>>, %arg5: memref<512x128xf32, #tpu.memory_space<vmem>>, %arg6: memref<8x128xf32, #tpu.memory_space<vmem>>) attributes {dimension_semantics = [#tpu.dimension_semantics<arbitrary>], iteration_bounds = array<i64: 128>, scalar_prefetch = 0 : i64, scratch_operands = 0 : i64, tpu.core_type = #tpu.core_type<tc>, window_params = [{transform_indices = @transform_0, window_bounds = array<i64: 512, 256>}, {pipeline_mode = #tpu.pipeline_mode<synchronous>, transform_indices = @transform_1, window_bounds = array<i64: 8, 256>}, {pipeline_mode = #tpu.pipeline_mode<synchronous>, transform_indices = @transform_2, window_bounds = array<i64: 256, 128>}, {pipeline_mode = #tpu.pipeline_mode<synchronous>, transform_indices = @transform_3, window_bounds = array<i64: 1, 128>}, {transform_indices = @transform_4, window_bounds = array<i64: 512, 128>}, {pipeline_mode = #tpu.pipeline_mode<synchronous>, transform_indices = @transform_5, window_bounds = array<i64: 8, 128>}]} {
    %get3A = arith.constant 0 : index
    %get3A_0 = arith.constant 0 : index
    %get3A_1 = vector.load %arg1[%get3A, %get3A_0] : memref<512x256xf32, #tpu.memory_space<vmem>>, vector<512x256xf32>
    %get3A_2 = arith.constant 0 : index
    %get3A_3 = arith.constant 0 : index
    %get3A_4 = vector.load %arg2[%get3A_2, %get3A_3] : memref<8x256xf32, #tpu.memory_space<vmem>>, vector<1x256xf32>
    %mul3A = vector.broadcast %get3A_4 : vector<1x256xf32> to vector<512x256xf32>
    %mul3A_5 = arith.mulf %get3A_1, %mul3A : vector<512x256xf32>
    %get3A_6 = arith.constant 1 : index
    %get3A_7 = arith.constant 0 : index
    %get3A_8 = vector.load %arg2[%get3A_6, %get3A_7] : memref<8x256xf32, #tpu.memory_space<vmem>>, vector<1x256xf32>
    %add3A = vector.broadcast %get3A_8 : vector<1x256xf32> to vector<512x256xf32>
    %add3A_9 = arith.addf %mul3A_5, %add3A : vector<512x256xf32>
    %max3A = arith.constant 0.000000e+00 : f32
    %max3A_10 = vector.broadcast %max3A : f32 to vector<512x256xf32>
    %max3A_11 = arith.maximumf %add3A_9, %max3A_10 : vector<512x256xf32>
    %get3A_12 = arith.constant 0 : index
    %get3A_13 = arith.constant 0 : index
    %get3A_14 = vector.load %arg3[%get3A_12, %get3A_13] : memref<256x128xf32, #tpu.memory_space<vmem>>, vector<256x128xf32>
    %dot_general3A = arith.constant dense<0.000000e+00> : vector<512x128xf32>
    %dot_general3A_15 = tpu.matmul %max3A_11, %get3A_14, %dot_general3A {dimension_numbers = #tpu.dot_dimension_numbers<[1], [0], [0], [1], [0, 0, 1, 1], [], []>, transpose_lhs_hint = false} : vector<512x256xf32>, vector<256x128xf32>, vector<512x128xf32> -> vector<512x128xf32>
    %get3A_16 = arith.constant 0 : index
    %get3A_17 = arith.constant 0 : index
    %get3A_18 = vector.load %arg4[%get3A_16, %get3A_17] : memref<1x128xf32, #tpu.memory_space<vmem>>, vector<1x128xf32>
    %add3A_19 = vector.broadcast %get3A_18 : vector<1x128xf32> to vector<512x128xf32>
    %add3A_20 = arith.addf %dot_general3A_15, %add3A_19 : vector<512x128xf32>
    %swap3A = arith.constant 0 : index
    %swap3A_21 = arith.constant 0 : index
    %swap3A_22 = vector.load %arg5[%swap3A, %swap3A_21] : memref<512x128xf32, #tpu.memory_space<vmem>>, vector<512x128xf32>
    tpu.vector_store %arg5[%swap3A, %swap3A_21], %add3A_20 {strides = array<i32>} : memref<512x128xf32, #tpu.memory_space<vmem>>, vector<512x128xf32>,
    %eq3A = arith.constant 0 : i32
    %eq3A_23 = arith.cmpi eq, %arg0, %eq3A : i32
    %convert_element_type3A = arith.extui %eq3A_23 : i1 to i32
    %cond3A = arith.constant 0 : i32
    %cond3A_24 = arith.cmpi ne, %convert_element_type3A, %cond3A : i32
    scf.if %cond3A_24 {
      %broadcast_in_dim3A_44 = arith.constant 0.000000e+00 : f32
      %broadcast_in_dim3A_45 = vector.broadcast %broadcast_in_dim3A_44 : f32 to vector<8x128xf32>
      %swap3A_46 = arith.constant 0 : index
      %swap3A_47 = arith.constant 0 : index
      %swap3A_48 = vector.load %arg6[%swap3A_46, %swap3A_47] : memref<8x128xf32, #tpu.memory_space<vmem>>, vector<8x128xf32>
      tpu.vector_store %arg6[%swap3A_46, %swap3A_47], %broadcast_in_dim3A_45 {strides = array<i32>} : memref<8x128xf32, #tpu.memory_space<vmem>>, vector<8x128xf32>,
    } else {
    }
    %get3A_25 = arith.constant 0 : index
    %get3A_26 = arith.constant 0 : index
    %get3A_27 = vector.load %arg6[%get3A_25, %get3A_26] : memref<8x128xf32, #tpu.memory_space<vmem>>, vector<1x128xf32>
    %reduce_sum3A = arith.constant dense<0.000000e+00> : vector<128xf32>
    %reduce_sum3A_28 = vector.multi_reduction <add>, %add3A_20, %reduce_sum3A [0] : vector<512x128xf32> to vector<128xf32>
    %broadcast_in_dim3A = vector.shape_cast %reduce_sum3A_28 : vector<128xf32> to vector<1x128xf32>
    %add3A_29 = arith.addf %get3A_27, %broadcast_in_dim3A : vector<1x128xf32>
    %swap3A_30 = arith.constant 0 : index
    %swap3A_31 = arith.constant 0 : index
    %swap3A_32 = vector.load %arg6[%swap3A_30, %swap3A_31] : memref<8x128xf32, #tpu.memory_space<vmem>>, vector<1x128xf32>
    tpu.vector_store %arg6[%swap3A_30, %swap3A_31], %add3A_29 {strides = array<i32>} : memref<8x128xf32, #tpu.memory_space<vmem>>, vector<1x128xf32>,
    %get3A_33 = arith.constant 1 : index
    %get3A_34 = arith.constant 0 : index
    %get3A_35 = vector.load %arg6[%get3A_33, %get3A_34] : memref<8x128xf32, #tpu.memory_space<vmem>>, vector<1x128xf32>
    %mul3A_36 = arith.mulf %add3A_20, %add3A_20 : vector<512x128xf32>
    %reduce_sum3A_37 = arith.constant dense<0.000000e+00> : vector<128xf32>
    %reduce_sum3A_38 = vector.multi_reduction <add>, %mul3A_36, %reduce_sum3A_37 [0] : vector<512x128xf32> to vector<128xf32>
    %broadcast_in_dim3A_39 = vector.shape_cast %reduce_sum3A_38 : vector<128xf32> to vector<1x128xf32>
    %add3A_40 = arith.addf %get3A_35, %broadcast_in_dim3A_39 : vector<1x128xf32>
    %swap3A_41 = arith.constant 1 : index
    %swap3A_42 = arith.constant 0 : index
    %swap3A_43 = vector.load %arg6[%swap3A_41, %swap3A_42] : memref<8x128xf32, #tpu.memory_space<vmem>>, vector<1x128xf32>
    tpu.vector_store %arg6[%swap3A_41, %swap3A_42], %add3A_40 {strides = array<i32>} : memref<8x128xf32, #tpu.memory_space<vmem>>, vector<1x128xf32>,
    return
  }
  func.func @transform_0(%arg0: i32) -> (i32, i32) {
    %c0_i32 = arith.constant 0 : i32
    %c0_i32_0 = arith.constant 0 : i32
    return %arg0, %c0_i32 : i32, i32
  }
  func.func @transform_1(%arg0: i32) -> (i32, i32) {
    %c0_i32 = arith.constant 0 : i32
    %c0_i32_0 = arith.constant 0 : i32
    %c0_i32_1 = arith.constant 0 : i32
    return %c0_i32, %c0_i32_0 : i32, i32
  }
  func.func @transform_2(%arg0: i32) -> (i32, i32) {
    %c0_i32 = arith.constant 0 : i32
    %c0_i32_0 = arith.constant 0 : i32
    %c0_i32_1 = arith.constant 0 : i32
    return %c0_i32, %c0_i32_0 : i32, i32
  }
  func.func @transform_3(%arg0: i32) -> (i32, i32) {
    %c0_i32 = arith.constant 0 : i32
    %c0_i32_0 = arith.constant 0 : i32
    %c0_i32_1 = arith.constant 0 : i32
    return %c0_i32, %c0_i32_0 : i32, i32
  }
  func.func @transform_4(%arg0: i32) -> (i32, i32) {
    %c0_i32 = arith.constant 0 : i32
    %c0_i32_0 = arith.constant 0 : i32
    return %arg0, %c0_i32 : i32, i32
  }
  func.func @transform_5(%arg0: i32) -> (i32, i32) {
    %c0_i32 = arith.constant 0 : i32
    %c0_i32_0 = arith.constant 0 : i32
    %c0_i32_1 = arith.constant 0 : i32
    return %c0_i32, %c0_i32_0 : i32, i32
  }
}

module attributes {stable_mosaic.version = 14 : i64} {
  func.func @_final_body(%arg0: i32, %arg1: memref<512x128xf32, #tpu.memory_space<vmem>>, %arg2: memref<8x128xf32, #tpu.memory_space<vmem>>, %arg3: memref<512x131xf32, #tpu.memory_space<vmem>>, %arg4: memref<512x131xf32, #tpu.memory_space<vmem>>) attributes {dimension_semantics = [#tpu.dimension_semantics<arbitrary>], iteration_bounds = array<i64: 128>, scalar_prefetch = 0 : i64, scratch_operands = 0 : i64, tpu.core_type = #tpu.core_type<tc>, window_params = [{transform_indices = @transform_0, window_bounds = array<i64: 512, 128>}, {pipeline_mode = #tpu.pipeline_mode<synchronous>, transform_indices = @transform_1, window_bounds = array<i64: 8, 128>}, {transform_indices = @transform_2, window_bounds = array<i64: 512, 131>}, {transform_indices = @transform_3, window_bounds = array<i64: 512, 131>}]} {
    %get3A = arith.constant 0 : index
    %get3A_0 = arith.constant 0 : index
    %get3A_1 = vector.load %arg1[%get3A, %get3A_0] : memref<512x128xf32, #tpu.memory_space<vmem>>, vector<512x128xf32>
    %get3A_2 = arith.constant 0 : index
    %get3A_3 = arith.constant 0 : index
    %get3A_4 = vector.load %arg2[%get3A_2, %get3A_3] : memref<8x128xf32, #tpu.memory_space<vmem>>, vector<1x128xf32>
    %mul3A = vector.broadcast %get3A_4 : vector<1x128xf32> to vector<512x128xf32>
    %mul3A_5 = arith.mulf %get3A_1, %mul3A : vector<512x128xf32>
    %get3A_6 = arith.constant 1 : index
    %get3A_7 = arith.constant 0 : index
    %get3A_8 = vector.load %arg2[%get3A_6, %get3A_7] : memref<8x128xf32, #tpu.memory_space<vmem>>, vector<1x128xf32>
    %add3A = vector.broadcast %get3A_8 : vector<1x128xf32> to vector<512x128xf32>
    %add3A_9 = arith.addf %mul3A_5, %add3A : vector<512x128xf32>
    %max3A = arith.constant 0.000000e+00 : f32
    %max3A_10 = vector.broadcast %max3A : f32 to vector<512x128xf32>
    %max3A_11 = arith.maximumf %add3A_9, %max3A_10 : vector<512x128xf32>
    %get3A_12 = arith.constant 0 : index
    %get3A_13 = arith.constant 0 : index
    %get3A_14 = vector.load %arg3[%get3A_12, %get3A_13] : memref<512x131xf32, #tpu.memory_space<vmem>>, vector<512x3xf32>
    %concatenate3A = tpu.concatenate %get3A_14, %max3A_11 in 1 : vector<512x3xf32>, vector<512x128xf32> -> vector<512x131xf32>
    %swap3A = arith.constant 0 : index
    %swap3A_15 = arith.constant 0 : index
    %swap3A_16 = vector.load %arg4[%swap3A, %swap3A_15] : memref<512x131xf32, #tpu.memory_space<vmem>>, vector<512x131xf32>
    tpu.vector_store %arg4[%swap3A, %swap3A_15], %concatenate3A {strides = array<i32>} : memref<512x131xf32, #tpu.memory_space<vmem>>, vector<512x131xf32>,
    return
  }
  func.func @transform_0(%arg0: i32) -> (i32, i32) {
    %c0_i32 = arith.constant 0 : i32
    %c0_i32_0 = arith.constant 0 : i32
    return %arg0, %c0_i32 : i32, i32
  }
  func.func @transform_1(%arg0: i32) -> (i32, i32) {
    %c0_i32 = arith.constant 0 : i32
    %c0_i32_0 = arith.constant 0 : i32
    %c0_i32_1 = arith.constant 0 : i32
    return %c0_i32, %c0_i32_0 : i32, i32
  }
  func.func @transform_2(%arg0: i32) -> (i32, i32) {
    %c0_i32 = arith.constant 0 : i32
    %c0_i32_0 = arith.constant 0 : i32
    return %arg0, %c0_i32 : i32, i32
  }
  func.func @transform_3(%arg0: i32) -> (i32, i32) {
    %c0_i32 = arith.constant 0 : i32
    %c0_i32_0 = arith.constant 0 : i32
    return %arg0, %c0_i32 : i32, i32
  }
}

</mosaic_0001>

<sc_bundles>
// kernel: kernel.7.cloned.1.call-start
scs
__scs_entry_jumppad:
0x0: {  	(pc) =	sbr.rel $0x88, $3  }
0x1: {  	(tag) =	ssettag $0x0;
	lr =	simm.s32 $0x1  }
0x2: {  	[smem:$0x3F97] =	sst lr;
	_ =	strace $0xD0000000  }
0x3: {  	_ = 	snop  }
0x4: {  	_ = 	snop  }
0x5: {  	_ = 	snop  }
0x6: {  	_ = 	snop  }
0x7: {  	_ = 	snop  }
__scs_overlays_trampoline_lowered:
0x8: {  	[smem:$0x3FA6] =	sst s0  }
0x9: {  	[smem:$0x3FA7] =	sst s1  }
0xa: {  	[smem:$0x3FA8] =	sst s2  }
0xb: {  	[smem:$0x3FA9] =	sst s3  }
0xc: {  	[smem:$0x3FAA] =	sst s4  }
0xd: {  	[smem:$0x3FAB] =	sst s5  }
0xe: {  	[smem:$0x3FAC] =	sst s6  }
0xf: {  	[smem:$0x3FAD] =	sst s7  }
0x10: {  	[smem:$0x3FAE] =	sst s8  }
0x11: {  	[smem:$0x3FAF] =	sst s9;
	s0 =	simm.s32 @!p0 $0x0  }
0x12: {  	s1 =	sld [smem:$0x3F95];
	s0 =	simm.s32 @p0 $0x1  }
0x13: {  	[smem:$0x3FB0] =	sst s0;
	s0 =	simm.s32 @!p1 $0x0  }
0x14: {  	s2 =	sld [smem:$0x3F94];
	s0 =	simm.s32 @p1 $0x1  }
0x15: {  	[smem:$0x3FB1] =	sst s0;
	s0 =	simm.s32 @!p2 $0x0  }
0x16: {  	s3 =	sld [smem:$0x3FDB];
	s0 =	simm.s32 @p2 $0x1  }
0x17: {  	s4 =	simm.s32 $0x1BF5;
	[smem:$0x3FB3] =	sst s0  }
0x18: {  	s0 =	sld [smem:$0x3F96];
	_ =	swait.ge [sflag:s4], $0x0  }
0x19: {  	s7 =	sld [smem:$0x3F97]  }
0x1a: {  	s8 =	sadd.s32 $0xFFFFE003, lr  }
0x1b: {  	s9 =	sadd.s32 $0xFFFFFEF7, lr;
	s5 =	simm.s32 $0xFFFFFFFF;
	p2 =	slt.u32 s8, $0xFFFFF086  }
0x1c: {  	p1 =	slt.u32 s9, $0xF7A;
	s5 =	simm.s32 @!p2 $0x0  }
0x1d: {  	s5 =	simm.s32 @p1 $0x1;
	p0 =	seq.s32 s7, s2  }
0x1e: {  	s7 =	smul.u32 @!p0 $0xF7A, s2;
	p2 =	seq.s32 @!p0 s5, $0x0  }
0x1f: {  	s9 =	smul.u32 $0xF7A, s1;
	s8 =	simm.s32 @!p0 $0x1BF5;
	p2 =	por !p2, p0  }
0x20: {  	[sflag:s8] =	ssyncset.s32 @!p0 $0xFFFFF086;
	s6 =	sadd.s32 @!p0 s3, s7;
	s7 =	simm.s32 @!p0 $0x108  }
0x21: {  	s3 =	sadd.s32 s3, s9;
	s6 =	sadd.s32 @!p0 $0x88, s6;
	s7 =	simm.s32 @p2 $0x1082  }
0x22: {  	[simem:s7], [sflag:s8] =	dma.local @!p0 [hbm:s6], $0xF7A  }
0x23: {  	s9 =	sor.u32 $0xD0000000, s2;
	s6 =	simm.s32 $0x108;
	_ =	swait.ge @!p0 [sflag:s8], $0x0  }
0x24: {  	s3 =	sadd.s32 $0x88, s3;
	s6 =	simm.s32 @!p1 $0x1082;
	[sflag:s4] =	ssyncset.s32 $0xFFFFF086  }
0x25: {  	[simem:s6], [sflag:s4] =	dma.local [hbm:s3], $0xF7A  }
0x26: {  	[smem:$0x3F97] =	sst s1;
	(tag) =	ssettag s2;
	_ =	strace s9  }
0x27: {  	s1 =	sld [smem:$0x3FA7]  }
0x28: {  	s2 =	sld [smem:$0x3FA8]  }
0x29: {  	s4 =	sld [smem:$0x3FAA]  }
0x2a: {  	p0 =	seq.s32 s5, $0x0;
	s5 =	sld [smem:$0x3FAB]  }
0x2b: {  	s6 =	sld [smem:$0x3FAC]  }
0x2c: {  	s7 =	sld [smem:$0x3FAD]  }
0x2d: {  	s3 =	simm.s32 $0x108;
	s8 =	sld [smem:$0x3FAE]  }
0x2e: {  	s3 =	simm.s32 @!p0 $0x1082;
	s9 =	sld [smem:$0x3FAF]  }
0x2f: {  	lr =	sadd.s32 s0, s3;
	s0 =	sld [smem:$0x3FA6]  }
0x30: {  	s3 =	sld [smem:$0x3FA9]  }
0x31: {  	[smem:$0x3FB2] =	sst s10  }
0x32: {  	s10 =	sld [smem:$0x3FB0];
	_ =	sdelay $0x3  }
0x33: {  	p0 =	seq.s32 s10, $0x1;
	s10 =	sld [smem:$0x3FB2];
	_ =	sdelay $0x3  }
0x34: {  	[smem:$0x3FB2] =	sst s10  }
0x35: {  	s10 =	sld [smem:$0x3FB1];
	_ =	sdelay $0x3  }
0x36: {  	p1 =	seq.s32 s10, $0x1;
	s10 =	sld [smem:$0x3FB2];
	_ =	sdelay $0x3  }
0x37: {  	[smem:$0x3FB2] =	sst s10  }
0x38: {  	s10 =	sld [smem:$0x3FB3]  }
0x39: {  	_ = 	snop;
	(pc) =	sbr.ind lr, $3  }
0x3a: {  	_ = 	snop  }
0x3b: {  	_ = 	snop  }
0x3c: {  	p2 =	seq.s32 s10, $0x1;
	s10 =	sld [smem:$0x3FB2]  }
0x3d: {  	_ =	shalt  }
0x3e: {  	_ =	shalt  }
0x3f: {  	_ =	shalt  }
0x40: {  	_ =	shalt  }
0x41: {  	_ =	shalt  }
0x42: {  	_ =	shalt  }
0x43: {  	_ =	shalt  }
0x44: {  	_ =	shalt  }
0x45: {  	_ =	shalt  }
0x46: {  	_ =	shalt  }
0x47: {  	_ =	shalt  }
0x48: {  	_ =	shalt  }
0x49: {  	_ =	shalt  }
0x4a: {  	_ =	shalt  }
0x4b: {  	_ =	shalt  }
0x4c: {  	_ =	shalt  }
0x4d: {  	_ =	shalt  }
0x4e: {  	_ =	shalt  }
0x4f: {  	_ =	shalt  }
0x50: {  	_ =	shalt  }
0x51: {  	_ =	shalt  }
0x52: {  	_ =	shalt  }
0x53: {  	_ =	shalt  }
0x54: {  	_ =	shalt  }
0x55: {  	_ =	shalt  }
0x56: {  	_ =	shalt  }
0x57: {  	_ =	shalt  }
0x58: {  	_ =	shalt  }
0x59: {  	_ =	shalt  }
0x5a: {  	_ =	shalt  }
0x5b: {  	_ =	shalt  }
0x5c: {  	_ =	shalt  }
0x5d: {  	_ =	shalt  }
0x5e: {  	_ =	shalt  }
0x5f: {  	_ =	shalt  }
0x60: {  	_ =	shalt  }
0x61: {  	_ =	shalt  }
0x62: {  	_ =	shalt  }
0x63: {  	_ =	shalt  }
0x64: {  	_ =	shalt  }
0x65: {  	_ =	shalt  }
0x66: {  	_ =	shalt  }
0x67: {  	_ =	shalt  }
0x68: {  	_ =	shalt  }
0x69: {  	_ =	shalt  }
0x6a: {  	_ =	shalt  }
0x6b: {  	_ =	shalt  }
0x6c: {  	_ =	shalt  }
0x6d: {  	_ =	shalt  }
0x6e: {  	_ =	shalt  }
0x6f: {  	_ =	shalt  }
0x70: {  	_ =	shalt  }
0x71: {  	_ =	shalt  }
0x72: {  	_ =	shalt  }
0x73: {  	_ =	shalt  }
0x74: {  	_ =	shalt  }
0x75: {  	_ =	shalt  }
0x76: {  	_ =	shalt  }
0x77: {  	_ =	shalt  }
0x78: {  	_ =	shalt  }
0x79: {  	_ =	shalt  }
0x7a: {  	_ =	shalt  }
0x7b: {  	_ =	shalt  }
0x7c: {  	_ =	shalt  }
0x7d: {  	_ =	shalt  }
0x7e: {  	_ =	shalt  }
0x7f: {  	_ =	shalt  }
0x80: {  	_ =	shalt  }
0x81: {  	_ =	shalt  }
0x82: {  	_ =	shalt  }
0x83: {  	_ =	shalt  }
0x84: {  	_ =	shalt  }
0x85: {  	_ =	shalt  }
0x86: {  	_ =	shalt  }
0x87: {  	_ =	shalt  }
.Lfunc_end0:
.L_simem_size_0:
called_computation.1_lowered:
.L_overlay_start_0:
0x88: {  	s2 =	sld [smem:$0x3FD9]  }
0x89: {  	s3 =	sld [smem:$0x3FFE];
	_ =	sdelay $0x1  }
0x8a: {  	s1 =	srdreg.scid  }
0x8b: {  	s0 =	sand.u32 $0x1, s1  }
0x8c: {  	s16 =	sshll.u32 s0, $0xA;
	s2 =	sadd.s32 s3, s2  }
0x8d: {  	s2 =	sadd.s32 s2, s16  }
0x8e: {  	[smem:$0x3FBE] =	sst s2  }
0x8f: {  	_ = 	snop  }
0x90: {  	(tm) =	ssettm $0x1  }
0x91: {  	s17 =	sld [smem:$0x3FFB];
	_ =	sdelay $0x3  }
0x92: {  	_ =	strace s17  }
0x93: {  	s2 =	sld [smem:$0x3FFC];
	_ =	sdelay $0x3  }
0x94: {  	_ =	strace s2  }
0x95: {  	s2 =	sld [smem:$0x3FFD];
	_ =	sdelay $0x3  }
0x96: {  	_ =	strace s2  }
0x97: {  	_ =	strace $0x8FFFFFFF  }
0x98: {  	s18 =	sld [smem:$0x3FDB];
	_ =	sdelay $0x1  }
0x99: {  	s19 =	simm.s32 $_scs_section_size  }
0x9a: {  	s4 =	simm.s32 $_size__tile_overlayer_lowered;
	s5 =	simm.s32 $_tile_overlayer_lowered  }
0x9b: {  	s22 =	simm.s32 $0x1BFF;
	s21 =	sshll.u32 s5, $0x1;
	s2 =	sadd.s32 s19, s18  }
0x9c: {  	s6 =	simm.s32 $0x0;
	s20 =	sshll.u32 s4, $0x1;
	s4 =	sadd.s32 s21, s2  }
0x9d: {  	[timem:s6], [sflag:s22] =	dma.local [hbm:s4], s20  }
0x9e: {  	_ =	swait.ge [sflag:s22], s20  }
0x9f: {  	s3 =	ssub.s32 $0x0, s20;
	[sflag:s22] =	ssyncset.done $0x0  }
0xa0: {  	[sflag:s22] =	ssyncadd.s32 s3;
	_ =	sdelay $0x1  }
0xa1: {  	s23 =	simm.s32 $0x1B8B  }
0xa2: {  	_ =	swait.ge [sflag:s23], $0x1  }
0xa3: {  	[sflag:s23] =	ssyncset.done $0x0  }
0xa4: {  	s25 =	simm.s32 $0x1B8E;
	s24 =	sld [smem:$0x3FFE];
	[sflag:s23] =	ssyncadd.s32 $0xFFFFFFFF  }
0xa5: {  	s26 =	simm.s32 $execute0_lowered;
	[smem:$0x3FD2] =	sst s25  }
0xa6: {  	s4 =	sshll.u32 s26, $0x1;
	_ =	strace $0x80000046;
	[dreg:$0x1] =	wrdreg $0xFFFFFFFF  }
0xa7: {  	s28 =	simm.s32 $_size_execute0_lowered;
	s2 =	sadd.s32 s2, s4;
	[dreg:$0x0] =	wrdreg $0x0  }
0xa8: {  	s4 =	sshll.u32 s28, $0x1;
	[dreg:$0x2] =	wrdreg s2  }
0xa9: {  	[dreg:$0x3] =	wrdreg s4  }
0xaa: {  	[dreg:$0x4] =	wrdreg $0xC0  }
0xab: {  	_ =	task [dreg:s6], $0x5FFFF  }
0xac: {  	[dreg:$0x1] =	wrdreg $0xFFFFFFFF  }
0xad: {  	[dreg:$0x0] =	wrdreg $0x60  }
0xae: {  	[dreg:$0x2] =	wrdreg s24  }
0xaf: {  	[dreg:$0x3] =	wrdreg $0x9  }
0xb0: {  	_ =	task.clear_ibuf [dreg:s6], $0x4FFFF;
	_ =	strace $0x90000046  }
0xb1: {  	s29 =	simm.s32 $0x9;
	_ =	strace $0x80000048  }
0xb2: {  	_ =	swait.ge [sflag:s29], $0x1  }
0xb3: {  	[sflag:s29] =	ssyncadd.s32 $0xFFFFFFFF  }
0xb4: {  	_ =	strace $0x90000048  }
0xb5: {  	_ =	sfence  }
0xb6: {  	s30 =	sld [smem:$0x0];
	_ =	sdelay $0x2  }
0xb7: {  	s31 =	sshll.u32 s1, $0xD;
	s1 =	sshrl.u32 s1, $0x2  }
0xb8: {  	s3 =	sand.u32 $0x4000, s31;
	s1 =	sadd.s32 s1, s30  }
0xb9: {  	s0 =	sor.u32 s3, s0;
	s1 =	sshll.u32 s1, $0x11  }
0xba: {  	s0 =	sor.u32 s1, s0  }
0xbb: {  	s0 =	sadd.s32 $0x8F2B, s0  }
0xbc: {  	[sflag:s0] =	ssyncadd.remote.s32 $0x1  }
0xbd: {  	_ =	sfence.sel $0xFFFF  }
0xbe: {  	[dreg:$0x0] =	wrdreg $0xFFFFFFFF;
	(pc) =	sbr.abs _section_cstart, $3  }
0xbf: {  	[dreg:$0x1] =	wrdreg $0xFFFFFFFF  }
0xc0: {  	_ =	task.clear_ibuf [dreg:s6], $0x2FFFF;
	_ =	strace $0x9FFFFFFF  }
0xc1: {  	(tm) =	ssettm $0x7FFFFFFF  }
tec
execute0_lowered:
.L_overlay_start_1:
0x0: {  	(tag) =	ssettag $0x1  }
0x1: {  	s0 =	rddreg [dreg:$0x0];
	s1 =	srdreg.scid;
	s2 =	simm.s32 $0x0  }
0x2: {  	s6 =	stileid.u32;
	s14 =	simm.s32 $0x1800;
	s31 =	simm.s32 $0x9800  }
0x3: {  	s7 =	simm.s32 $0xD800;
	s28 =	simm.s32 $0x14000;
	s29 =	simm.s32 $0x14800  }
0x4: {  	s30 =	simm.s32 $0x15000;
	s12 =	simm.s32 $0x16800;
	s13 =	simm.s32 $0x17000  }
0x5: {  	s11 =	simm.s32 $0x19000;
	s15 =	simm.s32 $0x1;
	s16 =	simm.s32 $0x2  }
0x6: {  	s17 =	simm.s32 $0x3;
	s20 =	simm.s32 $0x0;
	s1 =	sand.u32 $0x1, s1  }
0x7: {  	[smem:$0x7FF] =	sst s2;
	s4 =	sshll.u32 s6, $0xC;
	s3 =	sadd.s32 $0x9600, s0  }
0x8: {  	s21 =	sshll.u32 s6, $0x11;
	s6 =	simm.s32 $0x18800;
	s5 =	sshll.u32 s1, $0xB  }
0x9: {  	_ =	strace $0x80000047;
	s22 =	ssub.s32 $0x2, s1;
	s4 =	sor.u32 s5, s4  }
0xa: {  	s1 =	sshll.u32 s1, $0x10;
	s23 =	sshrl.u32 s22, $0x1;
	s4 =	sshrl.u32 s4, $0x3  }
0xb: {  	s5 =	ssub.s32 s22, s23;
	s22 =	simm.s32 $0x5800;
	s4 =	sadd.s32 s4, s0  }
0xc: {  	s0 =	sadd.s32 s21, s0;
	s26 =	smax.u32 s5, $0x1;
	s21 =	simm.s32 $0x11800  }
0xd: {  	s5 =	simm.s32 $0x18000;
	s24 =	sadd.s32 $0x3600, s4;
	s25 =	sadd.s32 $0x5600, s4  }
.Ltmp0:
0xe: {  	s4 =	sadd.s32 $0x7600, s4;
	[dreg:$0x5] =	wrdreg s26;
	(pc) =	sbr.rel .LBB2_1-.Ltmp0, $4  }
0xf: {  	s0 =	sadd.s32 s1, s0;
	s26 =	simm.s32 $0x13800;
	[dreg:$0x2] =	wrdreg s24  }
0x10: {  	v2 =	vlaneseq.u32;
	s1 =	simm.s32 $0x16000;
	[dreg:$0x3] =	wrdreg s25;
	s8 =	sadd.s32 $0x89600, s0  }
0x11: {  	vm0 =	vmmov $0xffff;
	v1 =	vshrl.u32 v2, $0x3;
	[dreg:$0x4] =	wrdreg s4;
	s9 =	sadd.s32 $0x289600, s0;
	s10 =	sadd.s32 $0x489600, s0  }
0x12: {  	v0 =	vand.u32 $0x7, v2;
	v2 =	vor.u32 $0x8, v2;
	v1 =	vmul.u32 $0x8, v1;
	s25 =	simm.s32 $0xE000;
	s0 =	simm.s32 $0x15800;
	s4 =	simm.s32 $0x17800  }
.LBB2_5:
0x13: {  	_ =	swait.ge [sflag:s17], $0x4000  }
0x14: {  	[sflag:s17] =	ssyncset.done $0x0  }
0x15: {  	[sflag:s17] =	ssyncadd.s32 $0xFFFFC000  }
0x16: {  	_ =	swait.ge [sflag:s17], $0x4000  }
0x17: {  	[sflag:s17] =	ssyncset.done $0x0  }
0x18: {  	[sflag:s17] =	ssyncadd.s32 $0xFFFFC000  }
0x19: {  	_ =	swait.ge [sflag:s17], $0x4000  }
0x1a: {  	[sflag:s17] =	ssyncset.done $0x0  }
0x1b: {  	s19 =	simm.s32 $0x4;
	[sflag:s17] =	ssyncadd.s32 $0xFFFFC000  }
0x1c: {  	_ =	swait.ge [sflag:s19], $0x4000  }
0x1d: {  	[sflag:s19] =	ssyncset.done $0x0  }
0x1e: {  	[sflag:s19] =	ssyncadd.s32 $0xFFFFC000  }
0x1f: {  	_ =	swait.ge [sflag:s19], $0x4000  }
0x20: {  	[sflag:s19] =	ssyncset.done $0x0  }
0x21: {  	[sflag:s19] =	ssyncadd.s32 $0xFFFFC000  }
0x22: {  	_ =	swait.ge [sflag:s19], $0x4000  }
0x23: {  	s20 =	rddreg [dreg:$0x6]  }
0x24: {  	s18 =	rddreg [dreg:$0x5];
	s20 =	sadd.s32 $0x1, s20  }
0x25: {  	p0 =	sne.s32 s20, s18  }
.Ltmp1:
0x26: {  	_ = 	snop;
	(pc) =	sbr.rel @!p0 .LBB2_6-.Ltmp1, $3  }
0x27: {  	_ =	sdelay $0x1  }
0x28: {  	[sflag:s19] =	ssyncset.done $0x0  }
0x29: {  	[sflag:s19] =	ssyncadd.s32 $0xFFFFC000  }
.LBB2_1:
0x2a: {  	[dreg:$0x6] =	wrdreg s20  }
0x2b: {  	s18 =	rddreg [dreg:$0x2];
	s19 =	simm.s32 $0x5  }
0x2c: {  	[tilespmem:s2], [sflag:$0x5] =	stream.linear.gather [hbm4b:s18+s2], $0x800, $0x38;
	[tilespmem:$0x19800] =	vst v63  }
0x2d: {  	_ =	swait.ge [sflag:s19], $0x800  }
0x2e: {  	[sflag:s19] =	ssyncset.done $0x0  }
0x2f: {  	s24 =	simm.s32 $0x800;
	s23 =	rddreg [dreg:$0x3];
	[sflag:s19] =	ssyncadd.s32 $0xFFFFF800  }
0x30: {  	[tilespmem:s24], [sflag:$0x5] =	stream.linear.gather [hbm4b:s23+s2], $0x800, $0x38;
	[tilespmem:$0x19800] =	vst v63  }
0x31: {  	_ =	swait.ge [sflag:s19], $0x800  }
0x32: {  	[sflag:s19] =	ssyncset.done $0x0  }
0x33: {  	s23 =	simm.s32 $0x1000;
	s20 =	rddreg [dreg:$0x4];
	[sflag:s19] =	ssyncadd.s32 $0xFFFFF800  }
0x34: {  	[tilespmem:s23], [sflag:$0x5] =	stream.linear.gather [hbm4b:s20+s2], $0x800, $0x38;
	[tilespmem:$0x19800] =	vst v63  }
0x35: {  	_ =	swait.ge [sflag:s19], $0x800  }
0x36: {  	[sflag:s19] =	ssyncset.done $0x0  }
0x37: {  	[sflag:s19] =	ssyncadd.s32 $0xFFFFF800  }
0x38: {  	v3 =	vld [tilespmem:$0x0];
	_ =	sdelay $0x4  }
0x39: {  	v4 =	vshll.u32 v3, $0x1  }
0x3a: {  	v3 =	vand.u32 $0x7, v3;
	v4 =	vand.u32 $0xFFFFFFF0, v4  }
0x3b: {  	v3 =	vor.u32 v3, v4  }
0x3c: {  	v4 =	vperm.xlane v3, v0;
	_ =	sdelay $0x1  }
0x3d: {  	v3 =	vperm.xlane v3, v2;
	v4 =	vadd.s32 v1, v4;
	_ =	sdelay $0x1  }
0x3e: {  	v3 =	vadd.s32 v1, v3;
	_ =	sdelay $0x2  }
0x3f: {  	[tilespmem:s14], [sflag:$0x1] =	stream.indirect_vreg.gather [hbm4b:s3+s2], $0x80, v4, vm0, $0xb8;
	[tilespmem:$0x19800] =	vst v63  }
0x40: {  	s24 =	simm.s32 $0x2000  }
0x41: {  	[tilespmem:s24], [sflag:$0x1] =	stream.indirect_vreg.gather [hbm4b:s3+s2], $0x80, v3, vm0, $0xb8;
	[tilespmem:$0x19800] =	vst v63  }
0x42: {  	v3 =	vld [tilespmem:$0x10];
	_ =	sdelay $0x4  }
0x43: {  	v53 =	vshll.u32 v3, $0x1  }
0x44: {  	v3 =	vand.u32 $0x7, v3;
	v4 =	vand.u32 $0xFFFFFFF0, v53  }
0x45: {  	v3 =	vor.u32 v3, v4  }
0x46: {  	v4 =	vperm.xlane v3, v0;
	_ =	sdelay $0x1  }
0x47: {  	v3 =	vperm.xlane v3, v2;
	v4 =	vadd.s32 v1, v4;
	_ =	sdelay $0x1  }
0x48: {  	v3 =	vadd.s32 v1, v3;
	_ =	sdelay $0x1  }
0x49: {  	s19 =	simm.s32 $0x2800  }
0x4a: {  	[tilespmem:s19], [sflag:$0x1] =	stream.indirect_vreg.gather [hbm4b:s3+s2], $0x80, v4, vm0, $0xb8;
	[tilespmem:$0x19800] =	vst v63  }
0x4b: {  	s20 =	simm.s32 $0x3000  }
0x4c: {  	[tilespmem:s20], [sflag:$0x1] =	stream.indirect_vreg.gather [hbm4b:s3+s2], $0x80, v3, vm0, $0xb8;
	[tilespmem:$0x19800] =	vst v63  }
0x4d: {  	v3 =	vld [tilespmem:$0x20];
	_ =	sdelay $0x4  }
0x4e: {  	v54 =	vshll.u32 v3, $0x1  }
0x4f: {  	v3 =	vand.u32 $0x7, v3;
	v4 =	vand.u32 $0xFFFFFFF0, v54  }
0x50: {  	v3 =	vor.u32 v3, v4  }
0x51: {  	v4 =	vperm.xlane v3, v0;
	_ =	sdelay $0x1  }
0x52: {  	v3 =	vperm.xlane v3, v2;
	v4 =	vadd.s32 v1, v4;
	_ =	sdelay $0x1  }
0x53: {  	v3 =	vadd.s32 v1, v3;
	_ =	sdelay $0x1  }
0x54: {  	s23 =	simm.s32 $0x3800  }
0x55: {  	[tilespmem:s23], [sflag:$0x1] =	stream.indirect_vreg.gather [hbm4b:s3+s2], $0x80, v4, vm0, $0xb8;
	[tilespmem:$0x19800] =	vst v63  }
0x56: {  	s24 =	simm.s32 $0x4000  }
0x57: {  	[tilespmem:s24], [sflag:$0x1] =	stream.indirect_vreg.gather [hbm4b:s3+s2], $0x80, v3, vm0, $0xb8;
	[tilespmem:$0x19800] =	vst v63  }
0x58: {  	v3 =	vld [tilespmem:$0x30];
	_ =	sdelay $0x4  }
0x59: {  	v55 =	vshll.u32 v3, $0x1  }
0x5a: {  	v3 =	vand.u32 $0x7, v3;
	v4 =	vand.u32 $0xFFFFFFF0, v55  }
0x5b: {  	v3 =	vor.u32 v3, v4  }
0x5c: {  	v4 =	vperm.xlane v3, v0;
	_ =	sdelay $0x1  }
0x5d: {  	v3 =	vperm.xlane v3, v2;
	v4 =	vadd.s32 v1, v4;
	_ =	sdelay $0x1  }
0x5e: {  	v3 =	vadd.s32 v1, v3;
	_ =	sdelay $0x1  }
0x5f: {  	s19 =	simm.s32 $0x4800  }
0x60: {  	[tilespmem:s19], [sflag:$0x1] =	stream.indirect_vreg.gather [hbm4b:s3+s2], $0x80, v4, vm0, $0xb8;
	[tilespmem:$0x19800] =	vst v63  }
0x61: {  	s20 =	simm.s32 $0x5000  }
0x62: {  	[tilespmem:s20], [sflag:$0x1] =	stream.indirect_vreg.gather [hbm4b:s3+s2], $0x80, v3, vm0, $0xb8;
	[tilespmem:$0x19800] =	vst v63  }
0x63: {  	v3 =	vld [tilespmem:$0x800];
	_ =	sdelay $0x4  }
0x64: {  	v56 =	vshll.u32 v3, $0x1  }
0x65: {  	v3 =	vand.u32 $0x7, v3;
	v4 =	vand.u32 $0xFFFFFFF0, v56  }
0x66: {  	v3 =	vor.u32 v3, v4  }
0x67: {  	v4 =	vperm.xlane v3, v0;
	_ =	sdelay $0x1  }
0x68: {  	v3 =	vperm.xlane v3, v2;
	v4 =	vadd.s32 v1, v4;
	_ =	sdelay $0x1  }
0x69: {  	v3 =	vadd.s32 v1, v3;
	_ =	sdelay $0x2  }
0x6a: {  	[tilespmem:s22], [sflag:$0x1] =	stream.indirect_vreg.gather [hbm4b:s3+s2], $0x80, v4, vm0, $0xb8;
	[tilespmem:$0x19800] =	vst v63  }
0x6b: {  	s23 =	simm.s32 $0x6000  }
0x6c: {  	[tilespmem:s23], [sflag:$0x1] =	stream.indirect_vreg.gather [hbm4b:s3+s2], $0x80, v3, vm0, $0xb8;
	[tilespmem:$0x19800] =	vst v63  }
0x6d: {  	v3 =	vld [tilespmem:$0x810];
	_ =	sdelay $0x4  }
0x6e: {  	v57 =	vshll.u32 v3, $0x1  }
0x6f: {  	v3 =	vand.u32 $0x7, v3;
	v4 =	vand.u32 $0xFFFFFFF0, v57  }
0x70: {  	v3 =	vor.u32 v3, v4  }
0x71: {  	v4 =	vperm.xlane v3, v0;
	_ =	sdelay $0x1  }
0x72: {  	v3 =	vperm.xlane v3, v2;
	v4 =	vadd.s32 v1, v4;
	_ =	sdelay $0x1  }
0x73: {  	v3 =	vadd.s32 v1, v3;
	_ =	sdelay $0x1  }
0x74: {  	s24 =	simm.s32 $0x6800  }
0x75: {  	[tilespmem:s24], [sflag:$0x1] =	stream.indirect_vreg.gather [hbm4b:s3+s2], $0x80, v4, vm0, $0xb8;
	[tilespmem:$0x19800] =	vst v63  }
0x76: {  	s19 =	simm.s32 $0x7000  }
0x77: {  	[tilespmem:s19], [sflag:$0x1] =	stream.indirect_vreg.gather [hbm4b:s3+s2], $0x80, v3, vm0, $0xb8;
	[tilespmem:$0x19800] =	vst v63  }
0x78: {  	v3 =	vld [tilespmem:$0x820];
	_ =	sdelay $0x4  }
0x79: {  	v58 =	vshll.u32 v3, $0x1  }
0x7a: {  	v3 =	vand.u32 $0x7, v3;
	v4 =	vand.u32 $0xFFFFFFF0, v58  }
0x7b: {  	v3 =	vor.u32 v3, v4  }
0x7c: {  	v4 =	vperm.xlane v3, v0;
	_ =	sdelay $0x1  }
0x7d: {  	v3 =	vperm.xlane v3, v2;
	v4 =	vadd.s32 v1, v4;
	_ =	sdelay $0x1  }
0x7e: {  	v3 =	vadd.s32 v1, v3;
	_ =	sdelay $0x1  }
0x7f: {  	s20 =	simm.s32 $0x7800  }
0x80: {  	[tilespmem:s20], [sflag:$0x1] =	stream.indirect_vreg.gather [hbm4b:s3+s2], $0x80, v4, vm0, $0xb8;
	[tilespmem:$0x19800] =	vst v63  }
0x81: {  	s23 =	simm.s32 $0x8000  }
0x82: {  	[tilespmem:s23], [sflag:$0x1] =	stream.indirect_vreg.gather [hbm4b:s3+s2], $0x80, v3, vm0, $0xb8;
	[tilespmem:$0x19800] =	vst v63  }
0x83: {  	v3 =	vld [tilespmem:$0x830];
	_ =	sdelay $0x4  }
0x84: {  	v59 =	vshll.u32 v3, $0x1  }
0x85: {  	v3 =	vand.u32 $0x7, v3;
	v4 =	vand.u32 $0xFFFFFFF0, v59  }
0x86: {  	v3 =	vor.u32 v3, v4  }
0x87: {  	v4 =	vperm.xlane v3, v0;
	_ =	sdelay $0x1  }
0x88: {  	v3 =	vperm.xlane v3, v2;
	v4 =	vadd.s32 v1, v4;
	_ =	sdelay $0x1  }
0x89: {  	v3 =	vadd.s32 v1, v3;
	_ =	sdelay $0x1  }
0x8a: {  	s24 =	simm.s32 $0x8800  }
0x8b: {  	[tilespmem:s24], [sflag:$0x1] =	stream.indirect_vreg.gather [hbm4b:s3+s2], $0x80, v4, vm0, $0xb8;
	[tilespmem:$0x19800] =	vst v63  }
0x8c: {  	s19 =	simm.s32 $0x9000  }
0x8d: {  	[tilespmem:s19], [sflag:$0x1] =	stream.indirect_vreg.gather [hbm4b:s3+s2], $0x80, v3, vm0, $0xb8;
	[tilespmem:$0x19800] =	vst v63  }
0x8e: {  	v3 =	vld [tilespmem:$0x1000];
	_ =	sdelay $0x4  }
0x8f: {  	v60 =	vshll.u32 v3, $0x1  }
0x90: {  	v3 =	vand.u32 $0x7, v3;
	v4 =	vand.u32 $0xFFFFFFF0, v60  }
0x91: {  	v3 =	vor.u32 v3, v4  }
0x92: {  	v4 =	vperm.xlane v3, v0;
	_ =	sdelay $0x1  }
0x93: {  	v3 =	vperm.xlane v3, v2;
	v4 =	vadd.s32 v1, v4;
	_ =	sdelay $0x1  }
0x94: {  	v3 =	vadd.s32 v1, v3;
	_ =	sdelay $0x2  }
0x95: {  	[tilespmem:s31], [sflag:$0x1] =	stream.indirect_vreg.gather [hbm4b:s3+s2], $0x80, v4, vm0, $0xb8;
	[tilespmem:$0x19800] =	vst v63  }
0x96: {  	s20 =	simm.s32 $0xA000  }
0x97: {  	[tilespmem:s20], [sflag:$0x1] =	stream.indirect_vreg.gather [hbm4b:s3+s2], $0x80, v3, vm0, $0xb8;
	[tilespmem:$0x19800] =	vst v63  }
0x98: {  	v3 =	vld [tilespmem:$0x1010];
	_ =	sdelay $0x4  }
0x99: {  	v61 =	vshll.u32 v3, $0x1  }
0x9a: {  	v3 =	vand.u32 $0x7, v3;
	v4 =	vand.u32 $0xFFFFFFF0, v61  }
0x9b: {  	v3 =	vor.u32 v3, v4  }
0x9c: {  	v4 =	vperm.xlane v3, v0;
	_ =	sdelay $0x1  }
0x9d: {  	v3 =	vperm.xlane v3, v2;
	v4 =	vadd.s32 v1, v4;
	_ =	sdelay $0x1  }
0x9e: {  	v3 =	vadd.s32 v1, v3;
	_ =	sdelay $0x1  }
0x9f: {  	s23 =	simm.s32 $0xA800  }
0xa0: {  	[tilespmem:s23], [sflag:$0x1] =	stream.indirect_vreg.gather [hbm4b:s3+s2], $0x80, v4, vm0, $0xb8;
	[tilespmem:$0x19800] =	vst v63  }
0xa1: {  	s24 =	simm.s32 $0xB000  }
0xa2: {  	[tilespmem:s24], [sflag:$0x1] =	stream.indirect_vreg.gather [hbm4b:s3+s2], $0x80, v3, vm0, $0xb8;
	[tilespmem:$0x19800] =	vst v63  }
0xa3: {  	v3 =	vld [tilespmem:$0x1020];
	_ =	sdelay $0x4  }
0xa4: {  	v62 =	vshll.u32 v3, $0x1  }
0xa5: {  	v3 =	vand.u32 $0x7, v3;
	v4 =	vand.u32 $0xFFFFFFF0, v62  }
0xa6: {  	v3 =	vor.u32 v3, v4  }
0xa7: {  	v4 =	vperm.xlane v3, v0;
	_ =	sdelay $0x1  }
0xa8: {  	v3 =	vperm.xlane v3, v2;
	v4 =	vadd.s32 v1, v4;
	_ =	sdelay $0x1  }
0xa9: {  	v3 =	vadd.s32 v1, v3;
	_ =	sdelay $0x1  }
0xaa: {  	s19 =	simm.s32 $0xB800  }
0xab: {  	[tilespmem:s19], [sflag:$0x1] =	stream.indirect_vreg.gather [hbm4b:s3+s2], $0x80, v4, vm0, $0xb8;
	[tilespmem:$0x19800] =	vst v63  }
0xac: {  	s20 =	simm.s32 $0xC000  }
0xad: {  	[tilespmem:s20], [sflag:$0x1] =	stream.indirect_vreg.gather [hbm4b:s3+s2], $0x80, v3, vm0, $0xb8;
	[tilespmem:$0x19800] =	vst v63  }
0xae: {  	v3 =	vld [tilespmem:$0x1030];
	_ =	sdelay $0x4  }
0xaf: {  	v63 =	vshll.u32 v3, $0x1  }
0xb0: {  	v3 =	vand.u32 $0x7, v3;
	v4 =	vand.u32 $0xFFFFFFF0, v63  }
0xb1: {  	v3 =	vor.u32 v3, v4  }
0xb2: {  	v4 =	vperm.xlane v3, v0;
	_ =	sdelay $0x1  }
0xb3: {  	v3 =	vperm.xlane v3, v2;
	v4 =	vadd.s32 v1, v4;
	_ =	sdelay $0x1  }
0xb4: {  	v3 =	vadd.s32 v1, v3  }
.Ltmp2:
0xb5: {  	_ = 	snop;
	(pc) =	sbr.rel .LBB2_2-.Ltmp2, $4  }
0xb6: {  	s23 =	simm.s32 $0xC800  }
0xb7: {  	[tilespmem:s23], [sflag:$0x1] =	stream.indirect_vreg.gather [hbm4b:s3+s2], $0x80, v4, vm0, $0xb8;
	[tilespmem:$0x19800] =	vst v63  }
0xb8: {  	s18 =	simm.s32 $0x860;
	s24 =	simm.s32 $0xD000;
	s19 =	simm.s32 $0x0  }
0xb9: {  	[tilespmem:s24], [sflag:$0x1] =	stream.indirect_vreg.gather [hbm4b:s3+s2], $0x80, v3, vm0, $0xb8;
	[tilespmem:$0x19800] =	vst v63  }
.LBB2_4:
0xba: {  	_ =	swait.ge [sflag:s16], $0x4000  }
0xbb: {  	[sflag:s16] =	ssyncset.done $0x0  }
0xbc: {  	[sflag:s16] =	ssyncadd.s32 $0xFFFFC000  }
0xbd: {  	_ =	swait.ge [sflag:s16], $0x4000  }
0xbe: {  	[sflag:s16] =	ssyncset.done $0x0  }
0xbf: {  	[sflag:s16] =	ssyncadd.s32 $0xFFFFC000  }
0xc0: {  	_ =	swait.ge [sflag:s16], $0x4000  }
0xc1: {  	s19 =	sadd.s32 $0x1000, s19;
	[sflag:s16] =	ssyncset.done $0x0  }
0xc2: {  	s20 =	sadd.s32 $0x800, s20;
	p0 =	sne.s32 s19, $0x10000;
	[sflag:s16] =	ssyncadd.s32 $0xFFFFC000  }
0xc3: {  	[hbm4b:s20+s2] =	stream.linear.scatter [tilespmem:s7], [sflag:$0x4], $0x4000, $0x38;
	[tilespmem:$0x19800] =	vst v63  }
.Ltmp3:
0xc4: {  	_ = 	snop;
	(pc) =	sbr.rel @!p0 .LBB2_5-.Ltmp3, $4  }
0xc5: {  	s23 =	sadd.s32 $0x800, s23  }
0xc6: {  	[hbm4b:s23+s2] =	stream.linear.scatter [tilespmem:s21], [sflag:$0x4], $0x4000, $0x38;
	[tilespmem:$0x19800] =	vst v63  }
0xc7: {  	s24 =	sadd.s32 $0x800, s24;
	s18 =	sadd.s32 $0x80, s18  }
0xc8: {  	[hbm4b:s24+s2] =	stream.linear.scatter [tilespmem:s0], [sflag:$0x4], $0x4000, $0x38;
	[tilespmem:$0x19800] =	vst v63  }
.LBB2_2:
0xc9: {  	p0 =	seq.s32 s19, $0x0  }
0xca: {  	s20 =	simm.s32 @!p0 $0x4  }
0xcb: {  	_ =	swait.ge @!p0 [sflag:s20], $0x4000  }
0xcc: {  	[sflag:s20] =	ssyncset.done @!p0 $0x0  }
0xcd: {  	[sflag:s20] =	ssyncadd.s32 @!p0 $0xFFFFC000  }
0xce: {  	_ =	swait.ge @!p0 [sflag:s20], $0x4000  }
0xcf: {  	[sflag:s20] =	ssyncset.done @!p0 $0x0  }
0xd0: {  	[sflag:s20] =	ssyncadd.s32 @!p0 $0xFFFFC000  }
0xd1: {  	_ =	swait.ge @!p0 [sflag:s20], $0x4000  }
0xd2: {  	[sflag:s20] =	ssyncset.done @!p0 $0x0  }
0xd3: {  	[sflag:s20] =	ssyncadd.s32 @!p0 $0xFFFFC000  }
0xd4: {  	v3 =	vld [tilespmem:s18+$0xFFFFF7E0];
	_ =	sdelay $0x4  }
0xd5: {  	v4 =	vshll.u32 v3, $0x1  }
0xd6: {  	v3 =	vand.u32 $0x7, v3;
	v4 =	vand.u32 $0xFFFFFFF0, v4  }
0xd7: {  	v3 =	vor.u32 v3, v4  }
0xd8: {  	v4 =	vperm.xlane v3, v0;
	_ =	sdelay $0x1  }
0xd9: {  	v3 =	vperm.xlane v3, v2;
	v4 =	vadd.s32 v1, v4;
	_ =	sdelay $0x1  }
0xda: {  	v3 =	vadd.s32 v1, v3;
	_ =	sdelay $0x2  }
0xdb: {  	[tilespmem:s7], [sflag:$0x2] =	stream.indirect_vreg.gather [hbm4b:s3+s2], $0x80, v4, vm0, $0xb8;
	[tilespmem:$0x19800] =	vst v63  }
0xdc: {  	_ = 	snop  }
0xdd: {  	[tilespmem:s25], [sflag:$0x2] =	stream.indirect_vreg.gather [hbm4b:s3+s2], $0x80, v3, vm0, $0xb8;
	[tilespmem:$0x19800] =	vst v63  }
0xde: {  	v3 =	vld [tilespmem:s18+$0xFFFFF7F0];
	_ =	sdelay $0x4  }
0xdf: {  	v53 =	vshll.u32 v3, $0x1  }
0xe0: {  	v3 =	vand.u32 $0x7, v3;
	v4 =	vand.u32 $0xFFFFFFF0, v53  }
0xe1: {  	v3 =	vor.u32 v3, v4  }
0xe2: {  	v4 =	vperm.xlane v3, v0;
	_ =	sdelay $0x1  }
0xe3: {  	v3 =	vperm.xlane v3, v2;
	v4 =	vadd.s32 v1, v4;
	_ =	sdelay $0x1  }
0xe4: {  	v3 =	vadd.s32 v1, v3;
	_ =	sdelay $0x1  }
0xe5: {  	s24 =	simm.s32 $0xE800  }
0xe6: {  	[tilespmem:s24], [sflag:$0x2] =	stream.indirect_vreg.gather [hbm4b:s3+s2], $0x80, v4, vm0, $0xb8;
	[tilespmem:$0x19800] =	vst v63  }
0xe7: {  	s23 =	simm.s32 $0xF000  }
0xe8: {  	[tilespmem:s23], [sflag:$0x2] =	stream.indirect_vreg.gather [hbm4b:s3+s2], $0x80, v3, vm0, $0xb8;
	[tilespmem:$0x19800] =	vst v63  }
0xe9: {  	v3 =	vld [tilespmem:s18+$0xFFFFF800];
	_ =	sdelay $0x4  }
0xea: {  	v54 =	vshll.u32 v3, $0x1  }
0xeb: {  	v3 =	vand.u32 $0x7, v3;
	v4 =	vand.u32 $0xFFFFFFF0, v54  }
0xec: {  	v3 =	vor.u32 v3, v4  }
0xed: {  	v4 =	vperm.xlane v3, v0;
	_ =	sdelay $0x1  }
0xee: {  	v3 =	vperm.xlane v3, v2;
	v4 =	vadd.s32 v1, v4;
	_ =	sdelay $0x1  }
0xef: {  	v3 =	vadd.s32 v1, v3;
	_ =	sdelay $0x1  }
0xf0: {  	s24 =	simm.s32 $0xF800  }
0xf1: {  	[tilespmem:s24], [sflag:$0x2] =	stream.indirect_vreg.gather [hbm4b:s3+s2], $0x80, v4, vm0, $0xb8;
	[tilespmem:$0x19800] =	vst v63  }
0xf2: {  	s23 =	simm.s32 $0x10000  }
0xf3: {  	[tilespmem:s23], [sflag:$0x2] =	stream.indirect_vreg.gather [hbm4b:s3+s2], $0x80, v3, vm0, $0xb8;
	[tilespmem:$0x19800] =	vst v63  }
0xf4: {  	v3 =	vld [tilespmem:s18+$0xFFFFF810];
	_ =	sdelay $0x4  }
0xf5: {  	v55 =	vshll.u32 v3, $0x1  }
0xf6: {  	v3 =	vand.u32 $0x7, v3;
	v4 =	vand.u32 $0xFFFFFFF0, v55  }
0xf7: {  	v3 =	vor.u32 v3, v4  }
0xf8: {  	v4 =	vperm.xlane v3, v0;
	_ =	sdelay $0x1  }
0xf9: {  	v3 =	vperm.xlane v3, v2;
	v4 =	vadd.s32 v1, v4;
	_ =	sdelay $0x1  }
0xfa: {  	v3 =	vadd.s32 v1, v3;
	_ =	sdelay $0x1  }
0xfb: {  	s24 =	simm.s32 $0x10800  }
0xfc: {  	[tilespmem:s24], [sflag:$0x2] =	stream.indirect_vreg.gather [hbm4b:s3+s2], $0x80, v4, vm0, $0xb8;
	[tilespmem:$0x19800] =	vst v63  }
0xfd: {  	s23 =	simm.s32 $0x11000  }
0xfe: {  	[tilespmem:s23], [sflag:$0x2] =	stream.indirect_vreg.gather [hbm4b:s3+s2], $0x80, v3, vm0, $0xb8;
	[tilespmem:$0x19800] =	vst v63  }
0xff: {  	v3 =	vld [tilespmem:s18+$0xFFFFFFE0];
	_ =	sdelay $0x4  }
0x100: {  	v56 =	vshll.u32 v3, $0x1  }
0x101: {  	v3 =	vand.u32 $0x7, v3;
	v4 =	vand.u32 $0xFFFFFFF0, v56  }
0x102: {  	v3 =	vor.u32 v3, v4  }
0x103: {  	v4 =	vperm.xlane v3, v0;
	_ =	sdelay $0x1  }
0x104: {  	v3 =	vperm.xlane v3, v2;
	v4 =	vadd.s32 v1, v4;
	_ =	sdelay $0x1  }
0x105: {  	v3 =	vadd.s32 v1, v3;
	_ =	sdelay $0x2  }
0x106: {  	[tilespmem:s21], [sflag:$0x2] =	stream.indirect_vreg.gather [hbm4b:s3+s2], $0x80, v4, vm0, $0xb8;
	[tilespmem:$0x19800] =	vst v63  }
0x107: {  	s24 =	simm.s32 $0x12000  }
0x108: {  	[tilespmem:s24], [sflag:$0x2] =	stream.indirect_vreg.gather [hbm4b:s3+s2], $0x80, v3, vm0, $0xb8;
	[tilespmem:$0x19800] =	vst v63  }
0x109: {  	v3 =	vld [tilespmem:s18+$0xFFFFFFF0];
	_ =	sdelay $0x4  }
0x10a: {  	v57 =	vshll.u32 v3, $0x1  }
0x10b: {  	v3 =	vand.u32 $0x7, v3;
	v4 =	vand.u32 $0xFFFFFFF0, v57  }
0x10c: {  	v3 =	vor.u32 v3, v4  }
0x10d: {  	v4 =	vperm.xlane v3, v0;
	_ =	sdelay $0x1  }
0x10e: {  	v3 =	vperm.xlane v3, v2;
	v4 =	vadd.s32 v1, v4;
	_ =	sdelay $0x1  }
0x10f: {  	v3 =	vadd.s32 v1, v3;
	_ =	sdelay $0x1  }
0x110: {  	s23 =	simm.s32 $0x12800  }
0x111: {  	[tilespmem:s23], [sflag:$0x2] =	stream.indirect_vreg.gather [hbm4b:s3+s2], $0x80, v4, vm0, $0xb8;
	[tilespmem:$0x19800] =	vst v63  }
0x112: {  	s24 =	simm.s32 $0x13000  }
0x113: {  	[tilespmem:s24], [sflag:$0x2] =	stream.indirect_vreg.gather [hbm4b:s3+s2], $0x80, v3, vm0, $0xb8;
	[tilespmem:$0x19800] =	vst v63  }
0x114: {  	v3 =	vld [tilespmem:s18+$0x0];
	_ =	sdelay $0x4  }
0x115: {  	v58 =	vshll.u32 v3, $0x1  }
0x116: {  	v3 =	vand.u32 $0x7, v3;
	v4 =	vand.u32 $0xFFFFFFF0, v58  }
0x117: {  	v3 =	vor.u32 v3, v4  }
0x118: {  	v4 =	vperm.xlane v3, v0;
	_ =	sdelay $0x1  }
0x119: {  	v3 =	vperm.xlane v3, v2;
	v4 =	vadd.s32 v1, v4;
	_ =	sdelay $0x1  }
0x11a: {  	v3 =	vadd.s32 v1, v3;
	_ =	sdelay $0x2  }
0x11b: {  	[tilespmem:s26], [sflag:$0x2] =	stream.indirect_vreg.gather [hbm4b:s3+s2], $0x80, v4, vm0, $0xb8;
	[tilespmem:$0x19800] =	vst v63  }
0x11c: {  	_ = 	snop  }
0x11d: {  	[tilespmem:s28], [sflag:$0x2] =	stream.indirect_vreg.gather [hbm4b:s3+s2], $0x80, v3, vm0, $0xb8;
	[tilespmem:$0x19800] =	vst v63  }
0x11e: {  	v3 =	vld [tilespmem:s18+$0x10];
	_ =	sdelay $0x4  }
0x11f: {  	v59 =	vshll.u32 v3, $0x1  }
0x120: {  	v3 =	vand.u32 $0x7, v3;
	v4 =	vand.u32 $0xFFFFFFF0, v59  }
0x121: {  	v3 =	vor.u32 v3, v4  }
0x122: {  	v4 =	vperm.xlane v3, v0;
	_ =	sdelay $0x1  }
0x123: {  	v3 =	vperm.xlane v3, v2;
	v4 =	vadd.s32 v1, v4;
	_ =	sdelay $0x1  }
0x124: {  	v3 =	vadd.s32 v1, v3;
	_ =	sdelay $0x2  }
0x125: {  	[tilespmem:s29], [sflag:$0x2] =	stream.indirect_vreg.gather [hbm4b:s3+s2], $0x80, v4, vm0, $0xb8;
	[tilespmem:$0x19800] =	vst v63  }
0x126: {  	_ = 	snop  }
0x127: {  	[tilespmem:s30], [sflag:$0x2] =	stream.indirect_vreg.gather [hbm4b:s3+s2], $0x80, v3, vm0, $0xb8;
	[tilespmem:$0x19800] =	vst v63  }
0x128: {  	v3 =	vld [tilespmem:s18+$0x7E0];
	_ =	sdelay $0x4  }
0x129: {  	v60 =	vshll.u32 v3, $0x1  }
0x12a: {  	v3 =	vand.u32 $0x7, v3;
	v4 =	vand.u32 $0xFFFFFFF0, v60  }
0x12b: {  	v3 =	vor.u32 v3, v4  }
0x12c: {  	v4 =	vperm.xlane v3, v0;
	_ =	sdelay $0x1  }
0x12d: {  	v3 =	vperm.xlane v3, v2;
	v4 =	vadd.s32 v1, v4;
	_ =	sdelay $0x1  }
0x12e: {  	v3 =	vadd.s32 v1, v3;
	_ =	sdelay $0x2  }
0x12f: {  	[tilespmem:s0], [sflag:$0x2] =	stream.indirect_vreg.gather [hbm4b:s3+s2], $0x80, v4, vm0, $0xb8;
	[tilespmem:$0x19800] =	vst v63  }
0x130: {  	_ = 	snop  }
0x131: {  	[tilespmem:s1], [sflag:$0x2] =	stream.indirect_vreg.gather [hbm4b:s3+s2], $0x80, v3, vm0, $0xb8;
	[tilespmem:$0x19800] =	vst v63  }
0x132: {  	v3 =	vld [tilespmem:s18+$0x7F0];
	_ =	sdelay $0x4  }
0x133: {  	v61 =	vshll.u32 v3, $0x1  }
0x134: {  	v3 =	vand.u32 $0x7, v3;
	v4 =	vand.u32 $0xFFFFFFF0, v61  }
0x135: {  	v3 =	vor.u32 v3, v4  }
0x136: {  	v4 =	vperm.xlane v3, v0;
	_ =	sdelay $0x1  }
0x137: {  	v3 =	vperm.xlane v3, v2;
	v4 =	vadd.s32 v1, v4;
	_ =	sdelay $0x1  }
0x138: {  	v3 =	vadd.s32 v1, v3;
	_ =	sdelay $0x2  }
0x139: {  	[tilespmem:s12], [sflag:$0x2] =	stream.indirect_vreg.gather [hbm4b:s3+s2], $0x80, v4, vm0, $0xb8;
	[tilespmem:$0x19800] =	vst v63  }
0x13a: {  	_ = 	snop  }
0x13b: {  	[tilespmem:s13], [sflag:$0x2] =	stream.indirect_vreg.gather [hbm4b:s3+s2], $0x80, v3, vm0, $0xb8;
	[tilespmem:$0x19800] =	vst v63  }
0x13c: {  	v3 =	vld [tilespmem:s18+$0x800];
	_ =	sdelay $0x4  }
0x13d: {  	v62 =	vshll.u32 v3, $0x1  }
0x13e: {  	v3 =	vand.u32 $0x7, v3;
	v4 =	vand.u32 $0xFFFFFFF0, v62  }
0x13f: {  	v3 =	vor.u32 v3, v4  }
0x140: {  	v4 =	vperm.xlane v3, v0;
	_ =	sdelay $0x1  }
0x141: {  	v3 =	vperm.xlane v3, v2;
	v4 =	vadd.s32 v1, v4;
	_ =	sdelay $0x1  }
0x142: {  	v3 =	vadd.s32 v1, v3;
	_ =	sdelay $0x2  }
0x143: {  	[tilespmem:s4], [sflag:$0x2] =	stream.indirect_vreg.gather [hbm4b:s3+s2], $0x80, v4, vm0, $0xb8;
	[tilespmem:$0x19800] =	vst v63  }
0x144: {  	_ = 	snop  }
0x145: {  	[tilespmem:s5], [sflag:$0x2] =	stream.indirect_vreg.gather [hbm4b:s3+s2], $0x80, v3, vm0, $0xb8;
	[tilespmem:$0x19800] =	vst v63  }
0x146: {  	v3 =	vld [tilespmem:s18+$0x810];
	_ =	sdelay $0x4  }
0x147: {  	v63 =	vshll.u32 v3, $0x1  }
0x148: {  	v3 =	vand.u32 $0x7, v3;
	v4 =	vand.u32 $0xFFFFFFF0, v63  }
0x149: {  	v3 =	vor.u32 v3, v4  }
0x14a: {  	v4 =	vperm.xlane v3, v0;
	_ =	sdelay $0x1  }
0x14b: {  	v3 =	vperm.xlane v3, v2;
	v4 =	vadd.s32 v1, v4;
	_ =	sdelay $0x1  }
0x14c: {  	v3 =	vadd.s32 v1, v3;
	_ =	sdelay $0x2  }
0x14d: {  	[tilespmem:s6], [sflag:$0x2] =	stream.indirect_vreg.gather [hbm4b:s3+s2], $0x80, v4, vm0, $0xb8;
	[tilespmem:$0x19800] =	vst v63  }
0x14e: {  	_ = 	snop  }
0x14f: {  	[tilespmem:s11], [sflag:$0x2] =	stream.indirect_vreg.gather [hbm4b:s3+s2], $0x80, v3, vm0, $0xb8;
	[tilespmem:$0x19800] =	vst v63  }
0x150: {  	_ =	swait.ge [sflag:s15], $0x4000  }
0x151: {  	[sflag:s15] =	ssyncset.done $0x0  }
0x152: {  	[sflag:s15] =	ssyncadd.s32 $0xFFFFC000  }
0x153: {  	_ =	swait.ge [sflag:s15], $0x4000  }
0x154: {  	[sflag:s15] =	ssyncset.done $0x0  }
0x155: {  	[sflag:s15] =	ssyncadd.s32 $0xFFFFC000  }
0x156: {  	_ =	swait.ge [sflag:s15], $0x4000  }
0x157: {  	[sflag:s15] =	ssyncset.done $0x0  }
0x158: {  	s20 =	sadd.s32 s19, s8;
	p0 =	seq.s32 s19, $0xF000;
	[sflag:s15] =	ssyncadd.s32 $0xFFFFC000  }
0x159: {  	[hbm4b:s20+s2] =	stream.linear.scatter [tilespmem:s14], [sflag:$0x3], $0x4000, $0x38;
	[tilespmem:$0x19800] =	vst v63  }
.Ltmp4:
0x15a: {  	_ = 	snop;
	(pc) =	sbr.rel @p0 .LBB2_4-.Ltmp4, $4  }
0x15b: {  	s23 =	sadd.s32 s19, s9  }
0x15c: {  	[hbm4b:s23+s2] =	stream.linear.scatter [tilespmem:s22], [sflag:$0x3], $0x4000, $0x38;
	[tilespmem:$0x19800] =	vst v63  }
0x15d: {  	s24 =	sadd.s32 s19, s10  }
0x15e: {  	[hbm4b:s24+s2] =	stream.linear.scatter [tilespmem:s31], [sflag:$0x3], $0x4000, $0x38;
	[tilespmem:$0x19800] =	vst v63  }
0x15f: {  	_ =	swait.ge [sflag:s17], $0x4000  }
0x160: {  	[sflag:s17] =	ssyncset.done $0x0  }
0x161: {  	[sflag:s17] =	ssyncadd.s32 $0xFFFFC000  }
0x162: {  	_ =	swait.ge [sflag:s17], $0x4000  }
0x163: {  	[sflag:s17] =	ssyncset.done $0x0  }
0x164: {  	[sflag:s17] =	ssyncadd.s32 $0xFFFFC000  }
0x165: {  	_ =	swait.ge [sflag:s17], $0x4000  }
0x166: {  	[sflag:s17] =	ssyncset.done $0x0  }
0x167: {  	[sflag:s17] =	ssyncadd.s32 $0xFFFFC000  }
0x168: {  	v3 =	vld [tilespmem:s18+$0xFFFFF820];
	_ =	sdelay $0x4  }
0x169: {  	v4 =	vshll.u32 v3, $0x1  }
0x16a: {  	v3 =	vand.u32 $0x7, v3;
	v4 =	vand.u32 $0xFFFFFFF0, v4  }
0x16b: {  	v3 =	vor.u32 v3, v4  }
0x16c: {  	v4 =	vperm.xlane v3, v0;
	_ =	sdelay $0x1  }
0x16d: {  	v3 =	vperm.xlane v3, v2;
	v4 =	vadd.s32 v1, v4;
	_ =	sdelay $0x1  }
0x16e: {  	v3 =	vadd.s32 v1, v3;
	_ =	sdelay $0x2  }
0x16f: {  	[tilespmem:s14], [sflag:$0x1] =	stream.indirect_vreg.gather [hbm4b:s3+s2], $0x80, v4, vm0, $0xb8;
	[tilespmem:$0x19800] =	vst v63  }
0x170: {  	s25 =	simm.s32 $0x2000  }
0x171: {  	[tilespmem:s25], [sflag:$0x1] =	stream.indirect_vreg.gather [hbm4b:s3+s2], $0x80, v3, vm0, $0xb8;
	[tilespmem:$0x19800] =	vst v63  }
0x172: {  	v3 =	vld [tilespmem:s18+$0xFFFFF830];
	_ =	sdelay $0x4  }
0x173: {  	v53 =	vshll.u32 v3, $0x1  }
0x174: {  	v3 =	vand.u32 $0x7, v3;
	v4 =	vand.u32 $0xFFFFFFF0, v53  }
0x175: {  	v3 =	vor.u32 v3, v4  }
0x176: {  	v4 =	vperm.xlane v3, v0;
	_ =	sdelay $0x1  }
0x177: {  	v3 =	vperm.xlane v3, v2;
	v4 =	vadd.s32 v1, v4;
	_ =	sdelay $0x1  }
0x178: {  	v3 =	vadd.s32 v1, v3;
	_ =	sdelay $0x1  }
0x179: {  	s25 =	simm.s32 $0x2800  }
0x17a: {  	[tilespmem:s25], [sflag:$0x1] =	stream.indirect_vreg.gather [hbm4b:s3+s2], $0x80, v4, vm0, $0xb8;
	[tilespmem:$0x19800] =	vst v63  }
0x17b: {  	s25 =	simm.s32 $0x3000  }
0x17c: {  	[tilespmem:s25], [sflag:$0x1] =	stream.indirect_vreg.gather [hbm4b:s3+s2], $0x80, v3, vm0, $0xb8;
	[tilespmem:$0x19800] =	vst v63  }
0x17d: {  	v3 =	vld [tilespmem:s18+$0xFFFFF840];
	_ =	sdelay $0x4  }
0x17e: {  	v54 =	vshll.u32 v3, $0x1  }
0x17f: {  	v3 =	vand.u32 $0x7, v3;
	v4 =	vand.u32 $0xFFFFFFF0, v54  }
0x180: {  	v3 =	vor.u32 v3, v4  }
0x181: {  	v4 =	vperm.xlane v3, v0;
	_ =	sdelay $0x1  }
0x182: {  	v3 =	vperm.xlane v3, v2;
	v4 =	vadd.s32 v1, v4;
	_ =	sdelay $0x1  }
0x183: {  	v3 =	vadd.s32 v1, v3;
	_ =	sdelay $0x1  }
0x184: {  	s25 =	simm.s32 $0x3800  }
0x185: {  	[tilespmem:s25], [sflag:$0x1] =	stream.indirect_vreg.gather [hbm4b:s3+s2], $0x80, v4, vm0, $0xb8;
	[tilespmem:$0x19800] =	vst v63  }
0x186: {  	s25 =	simm.s32 $0x4000  }
0x187: {  	[tilespmem:s25], [sflag:$0x1] =	stream.indirect_vreg.gather [hbm4b:s3+s2], $0x80, v3, vm0, $0xb8;
	[tilespmem:$0x19800] =	vst v63  }
0x188: {  	v3 =	vld [tilespmem:s18+$0xFFFFF850];
	_ =	sdelay $0x4  }
0x189: {  	v55 =	vshll.u32 v3, $0x1  }
0x18a: {  	v3 =	vand.u32 $0x7, v3;
	v4 =	vand.u32 $0xFFFFFFF0, v55  }
0x18b: {  	v3 =	vor.u32 v3, v4  }
0x18c: {  	v4 =	vperm.xlane v3, v0;
	_ =	sdelay $0x1  }
0x18d: {  	v3 =	vperm.xlane v3, v2;
	v4 =	vadd.s32 v1, v4;
	_ =	sdelay $0x1  }
0x18e: {  	v3 =	vadd.s32 v1, v3;
	_ =	sdelay $0x1  }
0x18f: {  	s25 =	simm.s32 $0x4800  }
0x190: {  	[tilespmem:s25], [sflag:$0x1] =	stream.indirect_vreg.gather [hbm4b:s3+s2], $0x80, v4, vm0, $0xb8;
	[tilespmem:$0x19800] =	vst v63  }
0x191: {  	s25 =	simm.s32 $0x5000  }
0x192: {  	[tilespmem:s25], [sflag:$0x1] =	stream.indirect_vreg.gather [hbm4b:s3+s2], $0x80, v3, vm0, $0xb8;
	[tilespmem:$0x19800] =	vst v63  }
0x193: {  	v3 =	vld [tilespmem:s18+$0x20];
	_ =	sdelay $0x4  }
0x194: {  	v56 =	vshll.u32 v3, $0x1  }
0x195: {  	v3 =	vand.u32 $0x7, v3;
	v4 =	vand.u32 $0xFFFFFFF0, v56  }
0x196: {  	v3 =	vor.u32 v3, v4  }
0x197: {  	v4 =	vperm.xlane v3, v0;
	_ =	sdelay $0x1  }
0x198: {  	v3 =	vperm.xlane v3, v2;
	v4 =	vadd.s32 v1, v4;
	_ =	sdelay $0x1  }
0x199: {  	v3 =	vadd.s32 v1, v3;
	_ =	sdelay $0x2  }
0x19a: {  	[tilespmem:s22], [sflag:$0x1] =	stream.indirect_vreg.gather [hbm4b:s3+s2], $0x80, v4, vm0, $0xb8;
	[tilespmem:$0x19800] =	vst v63  }
0x19b: {  	s25 =	simm.s32 $0x6000  }
0x19c: {  	[tilespmem:s25], [sflag:$0x1] =	stream.indirect_vreg.gather [hbm4b:s3+s2], $0x80, v3, vm0, $0xb8;
	[tilespmem:$0x19800] =	vst v63  }
0x19d: {  	v3 =	vld [tilespmem:s18+$0x30];
	_ =	sdelay $0x4  }
0x19e: {  	v57 =	vshll.u32 v3, $0x1  }
0x19f: {  	v3 =	vand.u32 $0x7, v3;
	v4 =	vand.u32 $0xFFFFFFF0, v57  }
0x1a0: {  	v3 =	vor.u32 v3, v4  }
0x1a1: {  	v4 =	vperm.xlane v3, v0;
	_ =	sdelay $0x1  }
0x1a2: {  	v3 =	vperm.xlane v3, v2;
	v4 =	vadd.s32 v1, v4;
	_ =	sdelay $0x1  }
0x1a3: {  	v3 =	vadd.s32 v1, v3;
	_ =	sdelay $0x1  }
0x1a4: {  	s25 =	simm.s32 $0x6800  }
0x1a5: {  	[tilespmem:s25], [sflag:$0x1] =	stream.indirect_vreg.gather [hbm4b:s3+s2], $0x80, v4, vm0, $0xb8;
	[tilespmem:$0x19800] =	vst v63  }
0x1a6: {  	s25 =	simm.s32 $0x7000  }
0x1a7: {  	[tilespmem:s25], [sflag:$0x1] =	stream.indirect_vreg.gather [hbm4b:s3+s2], $0x80, v3, vm0, $0xb8;
	[tilespmem:$0x19800] =	vst v63  }
0x1a8: {  	v3 =	vld [tilespmem:s18+$0x40];
	_ =	sdelay $0x4  }
0x1a9: {  	v58 =	vshll.u32 v3, $0x1  }
0x1aa: {  	v3 =	vand.u32 $0x7, v3;
	v4 =	vand.u32 $0xFFFFFFF0, v58  }
0x1ab: {  	v3 =	vor.u32 v3, v4  }
0x1ac: {  	v4 =	vperm.xlane v3, v0;
	_ =	sdelay $0x1  }
0x1ad: {  	v3 =	vperm.xlane v3, v2;
	v4 =	vadd.s32 v1, v4;
	_ =	sdelay $0x1  }
0x1ae: {  	v3 =	vadd.s32 v1, v3;
	_ =	sdelay $0x1  }
0x1af: {  	s25 =	simm.s32 $0x7800  }
0x1b0: {  	[tilespmem:s25], [sflag:$0x1] =	stream.indirect_vreg.gather [hbm4b:s3+s2], $0x80, v4, vm0, $0xb8;
	[tilespmem:$0x19800] =	vst v63  }
0x1b1: {  	s25 =	simm.s32 $0x8000  }
0x1b2: {  	[tilespmem:s25], [sflag:$0x1] =	stream.indirect_vreg.gather [hbm4b:s3+s2], $0x80, v3, vm0, $0xb8;
	[tilespmem:$0x19800] =	vst v63  }
0x1b3: {  	v3 =	vld [tilespmem:s18+$0x50];
	_ =	sdelay $0x4  }
0x1b4: {  	v59 =	vshll.u32 v3, $0x1  }
0x1b5: {  	v3 =	vand.u32 $0x7, v3;
	v4 =	vand.u32 $0xFFFFFFF0, v59  }
0x1b6: {  	v3 =	vor.u32 v3, v4  }
0x1b7: {  	v4 =	vperm.xlane v3, v0;
	_ =	sdelay $0x1  }
0x1b8: {  	v3 =	vperm.xlane v3, v2;
	v4 =	vadd.s32 v1, v4;
	_ =	sdelay $0x1  }
0x1b9: {  	v3 =	vadd.s32 v1, v3;
	_ =	sdelay $0x1  }
0x1ba: {  	s25 =	simm.s32 $0x8800  }
0x1bb: {  	[tilespmem:s25], [sflag:$0x1] =	stream.indirect_vreg.gather [hbm4b:s3+s2], $0x80, v4, vm0, $0xb8;
	[tilespmem:$0x19800] =	vst v63  }
0x1bc: {  	s25 =	simm.s32 $0x9000  }
0x1bd: {  	[tilespmem:s25], [sflag:$0x1] =	stream.indirect_vreg.gather [hbm4b:s3+s2], $0x80, v3, vm0, $0xb8;
	[tilespmem:$0x19800] =	vst v63  }
0x1be: {  	v3 =	vld [tilespmem:s18+$0x820];
	_ =	sdelay $0x4  }
0x1bf: {  	v60 =	vshll.u32 v3, $0x1  }
0x1c0: {  	v3 =	vand.u32 $0x7, v3;
	v4 =	vand.u32 $0xFFFFFFF0, v60  }
0x1c1: {  	v3 =	vor.u32 v3, v4  }
0x1c2: {  	v4 =	vperm.xlane v3, v0;
	_ =	sdelay $0x1  }
0x1c3: {  	v3 =	vperm.xlane v3, v2;
	v4 =	vadd.s32 v1, v4;
	_ =	sdelay $0x1  }
0x1c4: {  	v3 =	vadd.s32 v1, v3;
	_ =	sdelay $0x2  }
0x1c5: {  	[tilespmem:s31], [sflag:$0x1] =	stream.indirect_vreg.gather [hbm4b:s3+s2], $0x80, v4, vm0, $0xb8;
	[tilespmem:$0x19800] =	vst v63  }
0x1c6: {  	s25 =	simm.s32 $0xA000  }
0x1c7: {  	[tilespmem:s25], [sflag:$0x1] =	stream.indirect_vreg.gather [hbm4b:s3+s2], $0x80, v3, vm0, $0xb8;
	[tilespmem:$0x19800] =	vst v63  }
0x1c8: {  	v3 =	vld [tilespmem:s18+$0x830];
	_ =	sdelay $0x4  }
0x1c9: {  	v61 =	vshll.u32 v3, $0x1  }
0x1ca: {  	v3 =	vand.u32 $0x7, v3;
	v4 =	vand.u32 $0xFFFFFFF0, v61  }
0x1cb: {  	v3 =	vor.u32 v3, v4  }
0x1cc: {  	v4 =	vperm.xlane v3, v0;
	_ =	sdelay $0x1  }
0x1cd: {  	v3 =	vperm.xlane v3, v2;
	v4 =	vadd.s32 v1, v4;
	_ =	sdelay $0x1  }
0x1ce: {  	v3 =	vadd.s32 v1, v3;
	_ =	sdelay $0x1  }
0x1cf: {  	s25 =	simm.s32 $0xA800  }
0x1d0: {  	[tilespmem:s25], [sflag:$0x1] =	stream.indirect_vreg.gather [hbm4b:s3+s2], $0x80, v4, vm0, $0xb8;
	[tilespmem:$0x19800] =	vst v63  }
0x1d1: {  	s25 =	simm.s32 $0xB000  }
0x1d2: {  	[tilespmem:s25], [sflag:$0x1] =	stream.indirect_vreg.gather [hbm4b:s3+s2], $0x80, v3, vm0, $0xb8;
	[tilespmem:$0x19800] =	vst v63  }
0x1d3: {  	v3 =	vld [tilespmem:s18+$0x840];
	_ =	sdelay $0x4  }
0x1d4: {  	v62 =	vshll.u32 v3, $0x1  }
0x1d5: {  	v3 =	vand.u32 $0x7, v3;
	v4 =	vand.u32 $0xFFFFFFF0, v62  }
0x1d6: {  	v3 =	vor.u32 v3, v4  }
0x1d7: {  	v4 =	vperm.xlane v3, v0;
	_ =	sdelay $0x1  }
0x1d8: {  	v3 =	vperm.xlane v3, v2;
	v4 =	vadd.s32 v1, v4;
	_ =	sdelay $0x1  }
0x1d9: {  	v3 =	vadd.s32 v1, v3;
	_ =	sdelay $0x1  }
0x1da: {  	s25 =	simm.s32 $0xB800  }
0x1db: {  	[tilespmem:s25], [sflag:$0x1] =	stream.indirect_vreg.gather [hbm4b:s3+s2], $0x80, v4, vm0, $0xb8;
	[tilespmem:$0x19800] =	vst v63  }
0x1dc: {  	s25 =	simm.s32 $0xC000  }
0x1dd: {  	[tilespmem:s25], [sflag:$0x1] =	stream.indirect_vreg.gather [hbm4b:s3+s2], $0x80, v3, vm0, $0xb8;
	[tilespmem:$0x19800] =	vst v63  }
0x1de: {  	v3 =	vld [tilespmem:s18+$0x850];
	_ =	sdelay $0x4  }
0x1df: {  	v63 =	vshll.u32 v3, $0x1  }
0x1e0: {  	v3 =	vand.u32 $0x7, v3;
	v4 =	vand.u32 $0xFFFFFFF0, v63  }
0x1e1: {  	v3 =	vor.u32 v3, v4  }
0x1e2: {  	v4 =	vperm.xlane v3, v0;
	_ =	sdelay $0x1  }
0x1e3: {  	v3 =	vperm.xlane v3, v2;
	v4 =	vadd.s32 v1, v4;
	_ =	sdelay $0x1  }
0x1e4: {  	v3 =	vadd.s32 v1, v3;
	_ =	sdelay $0x1  }
.Ltmp5:
0x1e5: {  	s25 =	simm.s32 $0xC800;
	(pc) =	sbr.rel .LBB2_4-.Ltmp5, $4  }
0x1e6: {  	[tilespmem:s25], [sflag:$0x1] =	stream.indirect_vreg.gather [hbm4b:s3+s2], $0x80, v4, vm0, $0xb8;
	[tilespmem:$0x19800] =	vst v63  }
0x1e7: {  	s25 =	simm.s32 $0xD000  }
0x1e8: {  	[tilespmem:s25], [sflag:$0x1] =	stream.indirect_vreg.gather [hbm4b:s3+s2], $0x80, v3, vm0, $0xb8;
	[tilespmem:$0x19800] =	vst v63  }
0x1e9: {  	s25 =	simm.s32 $0xE000  }
.LBB2_6:
0x1ea: {  	_ =	sfence.sel $0x180000  }
0x1eb: {  	[bflag:$0x0] =	sbarrier.arrive $0xFFFF  }
0x1ec: {  	_ =	strace $0x90000047  }
0x1ed: {  	s0 =	stileid.u32;
	[bflag:$0x2] =	sbarrier.arrive $0xFFFF  }
0x1ee: {  	p0 =	sne.s32 s0, $0x0;
	s0 =	rddreg [dreg:$0x1]  }
0x1ef: {  	s0 =	sadd.s32 @!p0 $0x100000, s0  }
0x1f0: {  	[sflag:s0] =	ssyncadd.tile.s32 @!p0 $0x1;
	_ =	shalt  }
.Lfunc_end2:
_tile_overlayer_lowered:
.L_overlay_start_2:
0x1f1: {  	(tag) =	ssettag $0x2  }
0x1f2: {  	s0 =	rddreg [dreg:$0x0];
	s2 =	stileid.u32  }
0x1f3: {  	s1 =	rddreg [dreg:$0x1];
	p0 =	sne.s32 s2, $0x0  }
0x1f4: {  	s3 =	rddreg [dreg:$0x2];
	[bflag:$0x3] =	sbarrier.arrive $0xFFFF;
	s2 =	simm.s32 @!p0 $0x1C05  }
0x1f5: {  	[timem:s3], [sflag:s2] =	dma.local @!p0 [hbm:s0], s1  }
0x1f6: {  	s0 =	simm.s32 @!p0 $0x5  }
0x1f7: {  	_ =	swait.ge @!p0 [sflag:s0], s1  }
0x1f8: {  	s1 =	ssub.s32 @!p0 $0x0, s1;
	[sflag:s0] =	ssyncset.done @!p0 $0x0  }
0x1f9: {  	[sflag:s0] =	ssyncadd.s32 @!p0 s1  }
0x1fa: {  	[bflag:$0x3] =	sbarrier.arrive $0xFFFF  }
0x1fb: {  	_ =	shalt  }

// kernel: sparse-core-data-format-call.cloned.1.call-start
scs
called_computation_lowered:
.L_overlay_start_0:
0x0: {  	s2 =	sld [smem:$0x3FD9]  }
0x1: {  	s3 =	sld [smem:$0x3FFE];
	_ =	sdelay $0x1  }
0x2: {  	s1 =	srdreg.scid  }
0x3: {  	s0 =	sand.u32 $0x1, s1  }
0x4: {  	s18 =	sshll.u32 s0, $0xA;
	s2 =	sadd.s32 s3, s2  }
0x5: {  	s2 =	sadd.s32 s2, s18  }
0x6: {  	[smem:$0x3FBE] =	sst s2  }
0x7: {  	_ = 	snop  }
0x8: {  	s2 =	sld [smem:$0x3FD0];
	(tm) =	ssettm $0x1  }
0x9: {  	s19 =	sld [smem:$0x3FFB];
	_ =	sdelay $0x3  }
0xa: {  	_ =	strace s19  }
0xb: {  	s3 =	sld [smem:$0x3FFC];
	_ =	sdelay $0x3  }
0xc: {  	_ =	strace s3  }
0xd: {  	s3 =	sld [smem:$0x3FFD];
	_ =	sdelay $0x3  }
0xe: {  	_ =	strace s3  }
0xf: {  	_ =	strace $0x8FFFFFFF  }
0x10: {  	s20 =	sld [smem:$0x3FDB];
	_ =	sdelay $0x1  }
0x11: {  	s4 =	simm.s32 $_scs_section_size  }
0x12: {  	s5 =	simm.s32 $_size__tile_overlayer_lowered;
	s6 =	simm.s32 $_tile_overlayer_lowered  }
0x13: {  	s23 =	simm.s32 $0x1BFF;
	s22 =	sshll.u32 s6, $0x1;
	s3 =	sadd.s32 s4, s20  }
0x14: {  	s7 =	simm.s32 $0x0;
	s21 =	sshll.u32 s5, $0x1;
	s5 =	sadd.s32 s22, s3  }
0x15: {  	[timem:s7], [sflag:s23] =	dma.local [hbm:s5], s21  }
0x16: {  	_ =	swait.ge [sflag:s23], s21  }
0x17: {  	s4 =	ssub.s32 $0x0, s21;
	[sflag:s23] =	ssyncset.done $0x0  }
0x18: {  	[sflag:s23] =	ssyncadd.s32 s4;
	_ =	sdelay $0x1  }
0x19: {  	s24 =	simm.s32 $0x1B8B  }
0x1a: {  	_ =	swait.ge [sflag:s24], $0x1  }
0x1b: {  	[sflag:s24] =	ssyncset.done $0x0  }
0x1c: {  	s26 =	simm.s32 $0x1B8E;
	s25 =	sld [smem:$0x3FFE];
	[sflag:s24] =	ssyncadd.s32 $0xFFFFFFFF  }
0x1d: {  	s27 =	simm.s32 $execute0_lowered;
	[smem:$0x3FD2] =	sst s26  }
0x1e: {  	s5 =	sshll.u32 s27, $0x1;
	_ =	strace $0x80000049;
	[dreg:$0x1] =	wrdreg $0xFFFFFFFF  }
0x1f: {  	s28 =	simm.s32 $_size_execute0_lowered;
	s3 =	sadd.s32 s3, s5;
	[dreg:$0x0] =	wrdreg $0x0  }
0x20: {  	s5 =	sshll.u32 s28, $0x1;
	[dreg:$0x2] =	wrdreg s3  }
0x21: {  	[dreg:$0x3] =	wrdreg s5  }
0x22: {  	[dreg:$0x4] =	wrdreg $0xC0  }
0x23: {  	_ =	task [dreg:s7], $0x5FFFF  }
0x24: {  	[dreg:$0x1] =	wrdreg $0xFFFFFFFF  }
0x25: {  	[dreg:$0x0] =	wrdreg $0x60  }
0x26: {  	[dreg:$0x2] =	wrdreg s25  }
0x27: {  	[dreg:$0x3] =	wrdreg s2  }
0x28: {  	[dreg:$0x4] =	wrdreg $0x9  }
0x29: {  	_ =	task.clear_ibuf [dreg:s7], $0x5FFFF;
	_ =	strace $0x90000049  }
0x2a: {  	s29 =	simm.s32 $0x9;
	_ =	strace $0x8000004B  }
0x2b: {  	_ =	swait.ge [sflag:s29], $0x1  }
0x2c: {  	[sflag:s29] =	ssyncadd.s32 $0xFFFFFFFF  }
0x2d: {  	_ =	strace $0x9000004B  }
0x2e: {  	_ =	sfence  }
0x2f: {  	s30 =	sld [smem:$0x0];
	_ =	sdelay $0x2  }
0x30: {  	s31 =	sshll.u32 s1, $0xD;
	s1 =	sshrl.u32 s1, $0x2  }
0x31: {  	s3 =	sand.u32 $0x4000, s31;
	s1 =	sadd.s32 s1, s30  }
0x32: {  	s0 =	sor.u32 s3, s0;
	s1 =	sshll.u32 s1, $0x11  }
0x33: {  	s0 =	sor.u32 s1, s0  }
0x34: {  	s0 =	sadd.s32 $0x8F2B, s0  }
0x35: {  	[sflag:s0] =	ssyncadd.remote.s32 $0x1  }
0x36: {  	_ =	sfence.sel $0xFFFF  }
0x37: {  	[dreg:$0x0] =	wrdreg $0xFFFFFFFF;
	(pc) =	sbr.abs _section_cstart, $3  }
0x38: {  	[dreg:$0x1] =	wrdreg $0xFFFFFFFF  }
0x39: {  	_ =	task.clear_ibuf [dreg:s7], $0x2FFFF;
	_ =	strace $0x9FFFFFFF  }
0x3a: {  	(tm) =	ssettm $0x7FFFFFFF  }
0x3b: {  	_ =	shalt  }
tec
execute0_lowered:
.L_overlay_start_1:
0x0: {  	(tag) =	ssettag $0x1  }
0x1: {  	s3 =	rddreg [dreg:$0x0]  }
0x2: {  	s0 =	srdreg.scid;
	s1 =	rddreg [dreg:$0x1]  }
0x3: {  	s5 =	simm.s32 $0x1;
	s7 =	simm.s32 $0x2;
	s17 =	simm.s32 $0x0  }
0x4: {  	p0 =	por $0x0, $0x0;
	s16 =	simm.s32 $0x0;
	s18 =	simm.s32 $0x0  }
0x5: {  	s9 =	simm.s32 $0x0;
	s10 =	simm.s32 $0x0;
	s11 =	simm.s32 $0x0  }
0x6: {  	s12 =	simm.s32 $0x0;
	s14 =	stileid.u32;
	s0 =	sshll.u32 s0, $0x7  }
0x7: {  	s15 =	simm.s32 $0x0;
	s2 =	sand.u32 $0x80, s0;
	s0 =	rddreg [dreg:$0x2]  }
.Ltmp0:
0x8: {  	_ =	strace $0x8000004A;
	s6 =	ssub.s32 $0x1000, s2;
	(pc) =	sbr.rel .LBB1_1-.Ltmp0, $4  }
0x9: {  	s4 =	sadd.s32 $0x3600, s3;
	[sflag:s5] =	ssyncpa.u1 $0x0;
	s31 =	sshrl.u32 s6, $0x7  }
0xa: {  	s13 =	smov.u32 s2;
	s6 =	sshrl.u32 s6, $0x8;
	s3 =	sand.u32 $0x1, s31  }
0xb: {  	[sflag:s7] =	ssyncpa.u1 $0x0;
	s8 =	sadd.s32 s6, s3;
	s3 =	stileid.u32  }
0xc: {  	s6 =	sshll.u32 s8, $0x1;
	s7 =	sshllo.u32 s8, $0x1;
	s8 =	simm.s32 $0x10000  }
.LBB1_4:
0xd: {  	s23 =	sshra.s32 s23, $0x2  }
0xe: {  	s28 =	sand.u32 $0x78, s10;
	s24 =	sshll.u32 s11, $0x7;
	p1 =	sgt.s32 s11, $0xF  }
0xf: {  	s25 =	smov.u32 s11;
	s26 =	sshra.s32 s11, $0x1F;
	s27 =	smov.u32 s9  }
0x10: {  	s30 =	sshll.u32 s11, $0xC;
	s31 =	sshra.s32 s9, $0x1F;
	s22 =	sadd.s32 s23, s22  }
0x11: {  	s24 =	sand.u32 $0x380, s24;
	s25 =	simm.s32 @!p1 $0xF;
	p1 =	sgt.s32 s9, $0x3  }
0x12: {  	s26 =	sand.u32 s26, s11;
	s23 =	sor.u32 s24, s28;
	s27 =	simm.s32 @!p1 $0x3  }
0x13: {  	s24 =	ssub.s32 s25, s26;
	p1 =	sgt.s32 s10, $0xF80;
	s26 =	smov.u32 s10  }
0x14: {  	v5 =	vld [tilespmem:s20+$0xFFFFFFD0];
	[tilespmem:s21+$0x2040 ss:$0x81] =	vst.msk $0xffff, v4;
	s28 =	sshra.s32 s10, $0x1F;
	s25 =	sadd.s32 $0xFFFFFFF1, s24;
	s26 =	simm.s32 @!p1 $0xF80  }
0x15: {  	v58 =	vld [tilespmem:s20+$0xFFFFFFE0];
	[tilespmem:s21+$0x2850 ss:$0x81] =	vst.msk $0xffff, v3;
	s29 =	sand.u32 s28, s10;
	s28 =	sand.u32 $0x8000, s30;
	s24 =	ssub.s32 $0x10, s24  }
0x16: {  	v59 =	vld [tilespmem:s20+$0xFFFFFFF0];
	[tilespmem:s21+$0x3060 ss:$0x81] =	vst.msk $0xffff, v2;
	p1 =	sgt.s32 s25, $0x0;
	s25 =	ssub.s32 s26, s29;
	s26 =	sand.u32 s31, s9  }
0x17: {  	[tilespmem:s21+$0x0 ss:$0x81] =	vst.msk $0xffff, v1;
	v60 =	vld [tilespmem:s20+$0x0];
	s30 =	sshll.u32 s10, $0x3;
	s21 =	ssub.s32 s27, s26;
	s24 =	simm.s32 @p1 $0x0  }
0x18: {  	v61 =	vld [tilespmem:s20+$0x10];
	[tilespmem:s22+$0x3870 ss:$0x81] =	vst.msk $0xffff, v0;
	s27 =	sadd.s32 $0xFFFFF080, s25;
	s25 =	ssub.s32 $0x1000, s25;
	s26 =	sadd.s32 s28, s30  }
0x19: {  	v62 =	vld [tilespmem:s20+$0x20];
	[tilespmem:s22+$0x810 ss:$0x81] =	vst.msk $0xffff, v5;
	p1 =	sgt.s32 s27, $0x7F;
	s29 =	sadd.s32 $0xFFFFFFFD, s21;
	s21 =	ssub.s32 $0x83, s21  }
0x1a: {  	v63 =	vld [tilespmem:s20+$0xFFFFFFC0];
	[tilespmem:s22+$0x1020 ss:$0x81] =	vst.msk $0xffff, v58;
	s27 =	sshll.u32 s9, $0xD;
	s28 =	sshrl.u32 s26, $0x3;
	s25 =	simm.s32 @p1 $0x0  }
0x1b: {  	[tilespmem:s22+$0x1830 ss:$0x81] =	vst.msk $0xffff, v59;
	p1 =	sgt.s32 s29, $0x7F;
	s29 =	sand.u32 $0x7, s10;
	s31 =	smul.u32 s24, s25  }
0x1c: {  	[tilespmem:s22+$0x2040 ss:$0x81] =	vst.msk $0xffff, v60;
	s25 =	sand.u32 $0xC00, s30;
	s21 =	simm.s32 @p1 $0x0;
	s24 =	sand.u32 $0x1E00, s28  }
0x1d: {  	[tilespmem:s22+$0x2850 ss:$0x81] =	vst.msk $0xffff, v61;
	s23 =	sor.u32 s25, s23;
	s20 =	smul.u32 s21, s31;
	s21 =	sadd.s32 s1, s27  }
0x1e: {  	[tilespmem:s22+$0x3060 ss:$0x81] =	vst.msk $0xffff, v62;
	s30 =	sshll.u32 s29, $0x12;
	s23 =	sshrl.u32 s23, $0x3;
	s21 =	sadd.s32 s24, s21  }
0x1f: {  	[tilespmem:s22+$0x0 ss:$0x81] =	vst.msk $0xffff, v63;
	s31 =	sor.u32 $0x80, s30;
	s20 =	sand.u32 $0x3FFFFFFF, s20;
	s21 =	sadd.s32 s23, s21  }
0x20: {  	[hbm4b:s21+s31] =	stream.strided.scatter [tilespmem:s19], [sflag:$0x2], s20, s8, s31, $0x20;
	[tilespmem:$0x10100] =	vst v63  }
.LBB1_5:
0x21: {  	p1 =	slt.u32 s15, $0x2;
	s20 =	smov.u32 s18  }
0x22: {  	p2 =	sgt.s32 @!p1 s17, $0x3;
	s19 =	sshra.s32 @!p1 s17, $0x1F;
	p3 =	sgt.s32 @!p1 s18, $0xF  }
0x23: {  	s21 =	sshra.s32 @!p1 s18, $0x1F;
	p2 =	por !p2, p1;
	s19 =	sand.u32 @!p1 s19, s17  }
0x24: {  	p3 =	por !p3, p1;
	s18 =	sand.u32 @!p1 s21, s18;
	s21 =	sshra.s32 @!p1 s16, $0x1F  }
0x25: {  	s20 =	simm.s32 @p3 $0xF;
	p3 =	sgt.s32 @!p1 s16, $0xF80;
	s17 =	simm.s32 @p2 $0x3  }
0x26: {  	s18 =	ssub.s32 @!p1 s20, s18;
	p3 =	por !p3, p1;
	s20 =	smov.u32 s16  }
0x27: {  	s16 =	sand.u32 @!p1 s21, s16;
	s17 =	ssub.s32 @!p1 s17, s19;
	s20 =	simm.s32 @p3 $0xF80  }
0x28: {  	s19 =	sadd.s32 @!p1 $0xFFFFFFF1, s18;
	s18 =	ssub.s32 @!p1 $0x10, s18;
	s16 =	ssub.s32 @!p1 s20, s16  }
0x29: {  	s20 =	sadd.s32 @!p1 $0xFFFFFFFD, s17;
	p2 =	sgt.s32 @!p1 s19, $0x0;
	s19 =	sadd.s32 @!p1 $0xFFFFF080, s16  }
0x2a: {  	s17 =	ssub.s32 @!p1 $0x83, s17;
	p2 =	por !p2, p1;
	p3 =	sgt.s32 @!p1 s19, $0x7F  }
0x2b: {  	s16 =	ssub.s32 @!p1 $0x1000, s16;
	s18 =	simm.s32 @!p2 $0x0;
	p2 =	por !p3, p1  }
0x2c: {  	s19 =	sadd.s32 $0x80, s12;
	p3 =	sgt.s32 @!p1 s20, $0x7F;
	s16 =	simm.s32 @!p2 $0x0  }
0x2d: {  	s20 =	smov.u32 s13;
	p2 =	por !p3, p1;
	s16 =	smul.u32 @!p1 s18, s16  }
0x2e: {  	s17 =	simm.s32 @!p2 $0x0;
	p2 =	sgt.s32 s19, $0x82;
	s18 =	sadd.s32 $0x100, s13  }
0x2f: {  	s21 =	smov.u32 s14;
	s20 =	smov.u32 @p2 s18  }
0x30: {  	s16 =	smul.u32 @!p1 s17, s16;
	p3 =	sgt.s32 s20, $0xFFF;
	s17 =	sadd.s32 $0x10, s14  }
0x31: {  	p0 =	por !p0, !p0;
	s22 =	simm.s32 @!p1 $0x2;
	s21 =	smov.u32 @p3 s17  }
0x32: {  	s19 =	simm.s32 @p2 $0x0;
	s18 =	smov.u32 s11;
	p2 =	sgt.s32 s21, $0xF  }
0x33: {  	s11 =	smov.u32 s14;
	s21 =	smov.u32 @p2 s3;
	p2 =	sne.s32 s15, s7  }
.Ltmp1:
0x34: {  	s20 =	smov.u32 @p3 s2;
	s17 =	smov.u32 s9;
	(pc) =	sbr.rel @!p2 .LBB1_6-.Ltmp1, $4  }
0x35: {  	s9 =	smov.u32 s12;
	s12 =	smov.u32 s19;
	s16 =	sand.u32 @!p1 $0x3FFFFFFF, s16  }
0x36: {  	_ =	swait.ge @!p1 [sflag:s22], s16;
	s23 =	ssub.s32 @!p1 $0x0, s16;
	s16 =	smov.u32 s10  }
0x37: {  	s15 =	sadd.s32 $0x1, s15;
	s10 =	smov.u32 s13;
	[sflag:s22] =	ssyncset.done @!p1 $0x0  }
0x38: {  	s13 =	smov.u32 s20;
	s14 =	smov.u32 s21;
	[sflag:s22] =	ssyncadd.s32 @!p1 s23  }
.LBB1_1:
0x39: {  	p1 =	sge.u32 s15, s6  }
0x3a: {  	s31 =	sadd.s32 $0xFFFFFFFF, s15;
	s19 =	sxor.u32 @!p1 $0xFFFFFFFF, s15  }
0x3b: {  	s20 =	sshll.u32 @!p1 s13, $0x8;
	s21 =	sshll.u32 @!p1 s12, $0x3;
	s22 =	sshll.u32 @!p1 s13, $0x7  }
0x3c: {  	s23 =	sand.u32 @!p1 $0x78, s12;
	s20 =	sand.u32 @!p1 $0xFF800, s20;
	s21 =	sand.u32 @!p1 $0xFFC00, s21  }
0x3d: {  	s19 =	sshll.u32 @!p1 s19, $0xE;
	s20 =	sadd.s32 @!p1 s20, s21;
	s21 =	sand.u32 @!p1 $0x300, s22  }
0x3e: {  	s19 =	sand.u32 @!p1 $0x4000, s19;
	s20 =	sor.u32 @!p1 s21, s20;
	s21 =	sand.u32 @!p1 $0x80, s22  }
0x3f: {  	s22 =	sshll.u32 @!p1 s14, $0x11;
	s21 =	sor.u32 @!p1 s23, s21;
	s20 =	sshrl.u32 @!p1 s20, $0x3  }
0x40: {  	s22 =	sadd.s32 @!p1 s4, s22;
	s23 =	sand.u32 @!p1 $0x7, s12;
	s21 =	sshrl.u32 @!p1 s21, $0x3  }
0x41: {  	s20 =	sand.u32 @!p1 $0x1FFE0, s20;
	s21 =	sadd.s32 @!p1 s21, s22;
	s22 =	sshll.u32 @!p1 s23, $0x12  }
0x42: {  	s20 =	sadd.s32 @!p1 s20, s21;
	s21 =	sor.u32 @!p1 $0x400, s22;
	s22 =	simm.s32 @!p1 $0x800  }
0x43: {  	[tilespmem:s19], [sflag:$0x1] =	stream.strided.gather @!p1 [hbm4b:s20+s21], $0x4000, s22, s21, $0x38;
	[tilespmem:$0x10100] =	vst v63  }
0x44: {  	p1 =	sge.u32 s31, s6  }
.Ltmp2:
0x45: {  	_ = 	snop;
	(pc) =	sbr.rel @p1 .LBB1_5-.Ltmp2, $1  }
0x46: {  	_ =	sdelay $0x3  }
0x47: {  	s19 =	simm.s32 $0x1  }
0x48: {  	_ =	swait.ge [sflag:s5], $0x4000;
	s19 =	simm.s32 @!p0 $0x0  }
0x49: {  	[sflag:s5] =	ssyncset.done $0x0;
	s20 =	sshll.u32 s19, $0xE  }
0x4a: {  	[sflag:s5] =	ssyncadd.s32 $0xFFFFC000;
	s20 =	sor.u32 $0x40, s20  }
0x4b: {  	s19 =	smul.u32 $0x10200, s19;
	v0 =	vld [tilespmem:s20+$0x30]  }
0x4c: {  	v1 =	vld [tilespmem:s20+$0xFFFFFFD0]  }
0x4d: {  	s19 =	sshrl.u32 s19, $0x2;
	v5 =	vld [tilespmem:s20+$0xFFFFFFE0]  }
0x4e: {  	v6 =	vld [tilespmem:s20+$0xFFFFFFF0];
	s22 =	sor.u32 $0x8000, s19  }
0x4f: {  	s31 =	sand.u32 $0x1, s15;
	v4 =	vld [tilespmem:s20+$0x0];
	s21 =	sadd.s32 $0x0, s22  }
0x50: {  	v3 =	vld [tilespmem:s20+$0x10];
	s19 =	smul.u32 $0x10200, s31;
	[tilespmem:s21+$0x3870 ss:$0x81] =	vst.msk $0xffff, v0  }
0x51: {  	v2 =	vld [tilespmem:s20+$0x20];
	[tilespmem:s21+$0x810 ss:$0x81] =	vst.msk $0xffff, v1  }
0x52: {  	s19 =	sshrl.u32 s19, $0x2;
	v1 =	vld [tilespmem:s20+$0xFFFFFFC0];
	[tilespmem:s21+$0x1020 ss:$0x81] =	vst.msk $0xffff, v5;
	s20 =	sadd.s32 $0x80, s20  }
0x53: {  	s23 =	simm.s32 $0x4;
	s24 =	simm.s32 $0x8;
	s19 =	sor.u32 $0x8000, s19;
	[tilespmem:s21+$0x1830 ss:$0x81] =	vst.msk $0xffff, v6;
	v0 =	vld [tilespmem:s20+$0x30]  }
.LBB1_3:
0x54: {  	p1 =	sne.s32 s24, $0x1FC;
	v5 =	vld [tilespmem:s20+$0xFFFFFFD0];
	[tilespmem:s21+$0x2040 ss:$0x81] =	vst.msk $0xffff, v4  }
0x55: {  	v6 =	vld [tilespmem:s20+$0xFFFFFFE0];
	[tilespmem:s21+$0x2850 ss:$0x81] =	vst.msk $0xffff, v3  }
0x56: {  	s25 =	sshra.s32 s23, $0x2;
	s23 =	smov.u32 s24;
	v7 =	vld [tilespmem:s20+$0xFFFFFFF0];
	[tilespmem:s21+$0x3060 ss:$0x81] =	vst.msk $0xffff, v2  }
.Ltmp3:
0x57: {  	v4 =	vld [tilespmem:s20+$0x0];
	[tilespmem:s21+$0x0 ss:$0x81] =	vst.msk $0xffff, v1;
	s21 =	sadd.s32 s25, s22;
	(pc) =	sbr.rel @p1 .LBB1_3-.Ltmp3, $4  }
0x58: {  	v3 =	vld [tilespmem:s20+$0x10];
	[tilespmem:s21+$0x3870 ss:$0x81] =	vst.msk $0xffff, v0  }
0x59: {  	[tilespmem:s21+$0x810 ss:$0x81] =	vst.msk $0xffff, v5;
	v2 =	vld [tilespmem:s20+$0x20]  }
0x5a: {  	v1 =	vld [tilespmem:s20+$0xFFFFFFC0];
	[tilespmem:s21+$0x1020 ss:$0x81] =	vst.msk $0xffff, v6;
	s20 =	sadd.s32 $0x80, s20  }
0x5b: {  	s24 =	sadd.s32 $0x4, s24;
	v0 =	vld [tilespmem:s20+$0x30];
	[tilespmem:s21+$0x1830 ss:$0x81] =	vst.msk $0xffff, v7  }
.Ltmp4:
0x5c: {  	_ = 	snop;
	(pc) =	sbr.rel .LBB1_4-.Ltmp4, $1  }
0x5d: {  	_ =	sdelay $0x3  }
.LBB1_6:
0x5e: {  	_ =	sfence.sel $0x180000  }
0x5f: {  	s1 =	simm.s32 $0x1;
	[bflag:$0x0] =	sbarrier.arrive $0xFFFF  }
0x60: {  	s31 =	simm.s32 $0x2;
	[sflag:s1] =	ssyncpa.u1 $0x1  }
0x61: {  	[sflag:s31] =	ssyncpa.u1 $0x1  }
0x62: {  	p0 =	sne.s32 s3, $0x0;
	_ =	strace $0x9000004A  }
0x63: {  	s0 =	sadd.s32 @!p0 $0x100000, s0;
	[bflag:$0x2] =	sbarrier.arrive $0xFFFF  }
0x64: {  	[sflag:s0] =	ssyncadd.tile.s32 @!p0 $0x1;
	_ =	shalt  }
.Lfunc_end1:
_tile_overlayer_lowered:
.L_overlay_start_2:
0x65: {  	(tag) =	ssettag $0x2  }
0x66: {  	s0 =	rddreg [dreg:$0x0];
	s2 =	stileid.u32  }
0x67: {  	s1 =	rddreg [dreg:$0x1];
	p0 =	sne.s32 s2, $0x0  }
0x68: {  	s3 =	rddreg [dreg:$0x2];
	[bflag:$0x3] =	sbarrier.arrive $0xFFFF;
	s2 =	simm.s32 @!p0 $0x1C01  }
0x69: {  	[timem:s3], [sflag:s2] =	dma.local @!p0 [hbm:s0], s1  }
0x6a: {  	s0 =	simm.s32 @!p0 $0x1  }
0x6b: {  	_ =	swait.ge @!p0 [sflag:s0], s1  }
0x6c: {  	s1 =	ssub.s32 @!p0 $0x0, s1;
	[sflag:s0] =	ssyncset.done @!p0 $0x0  }
0x6d: {  	[sflag:s0] =	ssyncadd.s32 @!p0 s1  }
0x6e: {  	[bflag:$0x3] =	sbarrier.arrive $0xFFFF  }
0x6f: {  	_ =	shalt  }

</sc_bundles>
